<compile_context>
chip_gen: v7x
topology: tpu7x:2x2x1
jax: 0.10.2.dev20260603
libtpu: 0.0.44.dev20260713+nightly
codegen_flags: <defaults>
</compile_context>

<pallas_src>
import jax
import jax.numpy as jnp
from jax import lax
from jax.experimental import pallas as pl
from jax.experimental.pallas import tpu as pltpu
from jax.experimental.pallas import tpu_sc as plsc

_N = 10000
_E = 160000
_D = 256
_H = 128
_WD = 144
_NACC = 10016
_EPAD = 163840
_TILES = 16
_CHUNK = 64
_NCHUNKS = _EPAD // (_TILES * _CHUNK)
_RPT = _NACC // _TILES
_NBUF = 4


def _sc_body(x2_hbm, idx_hbm, out_hbm, cidx, sidx, rows, dummy, acc, *sems):
    gsem = sems[0:_NBUF]
    ssem = sems[_NBUF:2 * _NBUF]
    isem = sems[2 * _NBUF:3 * _NBUF]
    c = lax.axis_index("c")
    s = lax.axis_index("s")

    def _zero_row(r, carry):
        for rb in (0, 2, 3):
            for k in range(_WD // 16):
                rows[rb, r, pl.ds(k * 16, 16)] = jnp.zeros((16,), jnp.float32)
        return carry
    lax.fori_loop(0, _CHUNK, _zero_row, 0)
    for k in range(_CHUNK // 16):
        dummy[0, pl.ds(k * 16, 16)] = jnp.full((16,), _N, jnp.int32)
    base = s * _RPT
    for q in range(_RPT // _CHUNK):
        pltpu.sync_copy(rows.at[0], acc.at[pl.ds(base + q * _CHUNK, _CHUNK)])
    rem = _RPT % _CHUNK
    if rem:
        pltpu.sync_copy(rows.at[0, pl.ds(0, rem)],
                        acc.at[pl.ds(base + _RPT - rem, rem)])
    plsc.subcore_barrier()

    for k in range(_NBUF):
        pltpu.async_copy(idx_hbm.at[c, s, k], cidx.at[k], isem[k])
    for k in range(2):
        pltpu.make_async_copy(idx_hbm.at[c, s, k], cidx.at[k],
                              isem[k]).wait()
        pltpu.async_copy(x2_hbm.at[cidx.at[k, 0]], rows.at[k], gsem[k])
    for k in (2, 3):
        pltpu.async_copy(rows.at[k], acc.at[dummy.at[0]], ssem[k], add=True)

    def _chunk(t, carry):
        jj = t * _NBUF
        for u in range(_NBUF):
            j = jj + u
            un = (u + 2) % _NBUF
            pltpu.make_async_copy(
                x2_hbm.at[cidx.at[u, 0]], rows.at[u], gsem[u]).wait()
            for k in range(_CHUNK // 16):
                sidx[u, pl.ds(k * 16, 16)] = cidx[u, 1, pl.ds(k * 16, 16)]
            pltpu.async_copy(rows.at[u], acc.at[sidx.at[u]],
                             ssem[u], add=True)

            @pl.when(j + 2 < _NCHUNKS)
            def _next_gather():
                pltpu.make_async_copy(idx_hbm.at[c, s, j + 2],
                                      cidx.at[un], isem[un]).wait()
                pltpu.make_async_copy(rows.at[un], acc.at[dummy.at[0]],
                                      ssem[un]).wait()
                pltpu.async_copy(x2_hbm.at[cidx.at[un, 0]], rows.at[un],
                                 gsem[un])

            @pl.when(j + 4 < _NCHUNKS)
            def _next_idx():
                pltpu.async_copy(idx_hbm.at[c, s, j + 4], cidx.at[u],
                                 isem[u])
        return carry
    lax.fori_loop(0, _NCHUNKS // _NBUF, _chunk, 0)

    for k in range(_NBUF):
        pltpu.make_async_copy(rows.at[k], acc.at[dummy.at[0]],
                              ssem[k]).wait()
    plsc.subcore_barrier()
    pltpu.sync_copy(acc.at[pl.ds(base, _RPT)],
                    out_hbm.at[c, pl.ds(base, _RPT)])


_sc_agg = pl.kernel(
    _sc_body,
    out_type=jax.ShapeDtypeStruct((2, _NACC, _WD), jnp.float32),
    mesh=plsc.VectorSubcoreMesh(core_axis_name="c", subcore_axis_name="s"),
    compiler_params=pltpu.CompilerParams(use_tc_tiling_on_sc=False),
    scratch_types=[
        pltpu.VMEM((_NBUF, 2, _CHUNK), jnp.int32),
        pltpu.VMEM((_NBUF, _CHUNK), jnp.int32),
        pltpu.VMEM((_NBUF, _CHUNK, _WD), jnp.float32),
        pltpu.VMEM((1, _CHUNK), jnp.int32),
        pltpu.VMEM_SHARED((_NACC, _WD), jnp.float32),
    ] + [pltpu.SemaphoreType.DMA] * (3 * _NBUF),
)


def _tc_body(acc_ref, x_ref, w_ref, b_ref, o_ref):
    deg = jnp.maximum(acc_ref[0, :, _H:_H + 1], 1.0)
    h_lo = acc_ref[0, :, 0:_H] / deg
    h_hi = acc_ref[1, :, 0:_H] / deg
    y = (jnp.dot(h_lo, w_ref[0:_H, :], preferred_element_type=jnp.float32)
         + jnp.dot(h_hi, w_ref[_H:_D, :], preferred_element_type=jnp.float32)
         + b_ref[...])
    o_ref[...] = x_ref[...] + jnp.maximum(y, 0.0)


_ROWS_BLK = 1000


def kernel(x, edge_index, W, b):
    src = edge_index[0]
    dst = edge_index[1]
    pad = _EPAD - _E
    src_p = jnp.concatenate([src, jnp.zeros((pad,), jnp.int32)])
    dst_p = jnp.concatenate([dst, jnp.full((pad,), _N, jnp.int32)])
    src2 = jnp.stack([src_p, src_p + _N]).reshape(2, _TILES, _NCHUNKS, _CHUNK)
    dst3 = jnp.broadcast_to(dst_p.reshape(1, _TILES, _NCHUNKS, _CHUNK),
                            (2, _TILES, _NCHUNKS, _CHUNK))
    idx_comb = jnp.stack([src2, dst3], axis=3)
    xh = x.reshape(_N, 2, _H).transpose(1, 0, 2).reshape(2 * _N, _H)
    x2 = jnp.concatenate(
        [xh,
         jnp.ones((2 * _N, 1), jnp.float32),
         jnp.zeros((2 * _N, _WD - _H - 1), jnp.float32)], axis=1)

    acc = _sc_agg(x2, idx_comb)

    out = pl.pallas_call(
        _tc_body,
        grid=(_N // _ROWS_BLK,),
        in_specs=[
            pl.BlockSpec((2, _ROWS_BLK, _WD), lambda i: (0, i, 0)),
            pl.BlockSpec((_ROWS_BLK, _D), lambda i: (i, 0)),
            pl.BlockSpec((_D, _D), lambda i: (0, 0)),
            pl.BlockSpec((1, _D), lambda i: (0, 0)),
        ],
        out_specs=pl.BlockSpec((_ROWS_BLK, _D), lambda i: (i, 0)),
        out_shape=jax.ShapeDtypeStruct((_N, _D), jnp.float32),
    )(acc, x, W, b.reshape(1, _D))
    return out

# --- scband reference (transcript-rebuilt; emitter-appended) ---
"""Pipeline reference for scband-eiconv-layer-21019569947061 (READ-ONLY COPY).

The authoritative reference and input builder live on the scoring server;
editing this copy changes nothing except your own understanding.
"""

import jax, jax.numpy as jnp
import numpy as np

N_NODES = 10000
N_EDGES = 160000
DIM_IN = 256
DIM_OUT = 256


def setup_inputs(seed: int = 0) -> dict:
    key = jax.random.key(seed)
    k1, k2, k3 = jax.random.split(key, 3)
    x = jax.random.normal(k1, (N_NODES, DIM_IN), dtype=jnp.float32)
    edge_index = jax.random.randint(k2, (2, N_EDGES), 0, N_NODES, dtype=jnp.int32)
    # Learned parameters of the EIGNN conv (linear message transform + bias).
    W = jax.random.normal(k3, (DIM_IN, DIM_OUT), dtype=jnp.float32) * (1.0 / np.sqrt(DIM_IN))
    b = jnp.zeros((DIM_OUT,), dtype=jnp.float32)
    return {"x": x, "edge_index": edge_index, "W": W, "b": b}


def reference(x, edge_index, W, b):
    # EIGNN conv: transform gathered source-node features, aggregate (mean) at dst.
    src = edge_index[0]
    dst = edge_index[1]
    msg = jnp.take(x, src, axis=0) @ W                      # gather + dense transform
    agg = jax.ops.segment_sum(msg, dst, num_segments=x.shape[0])  # scatter-add
    deg = jax.ops.segment_sum(jnp.ones((dst.shape[0],), dtype=x.dtype), dst,
                              num_segments=x.shape[0])
    agg = agg / jnp.clip(deg, 1.0, None)[:, None]
    # act (relu) + dropout(p=0.0 -> identity), then residual: batch.x = x_in + act(model(batch))
    out = jax.nn.relu(agg + b)
    return x + out

if __name__ == "__main__":
    import jax
    _d = setup_inputs()
    print(jax.jit(kernel)(*tuple(_d.values())))

</pallas_src>

<mosaic_0001>
#map = affine_map<(d0, d1) -> (0, 0)>
#map1 = affine_map<(d0, d1) -> (0, 0, 0, 0, 0)>
#map2 = affine_map<(d0, d1) -> (0, 0, 0)>
module attributes {stable_mosaic.version = 14 : i64} {
  func.func @_sc_body(%arg0: i32, %arg1: i32, %arg2: memref<20000x144xf32, #tpu.memory_space<hbm>>, %arg3: memref<2x16x160x2x64xi32, #tpu.memory_space<hbm>>, %arg4: memref<2x10016x144xf32, #tpu.memory_space<hbm>>, %arg5: memref<4x2x64xi32, #tpu.memory_space<vmem>>, %arg6: memref<4x64xi32, #tpu.memory_space<vmem>>, %arg7: memref<4x64x144xf32, #tpu.memory_space<vmem>>, %arg8: memref<1x64xi32, #tpu.memory_space<vmem>>, %arg9: memref<10016x144xf32, #tpu.memory_space<vmem_shared>>, %arg10: memref<!tpu.dma_semaphore, #tpu.memory_space<semaphore_mem>>, %arg11: memref<!tpu.dma_semaphore, #tpu.memory_space<semaphore_mem>>, %arg12: memref<!tpu.dma_semaphore, #tpu.memory_space<semaphore_mem>>, %arg13: memref<!tpu.dma_semaphore, #tpu.memory_space<semaphore_mem>>, %arg14: memref<!tpu.dma_semaphore, #tpu.memory_space<semaphore_mem>>, %arg15: memref<!tpu.dma_semaphore, #tpu.memory_space<semaphore_mem>>, %arg16: memref<!tpu.dma_semaphore, #tpu.memory_space<semaphore_mem>>, %arg17: memref<!tpu.dma_semaphore, #tpu.memory_space<semaphore_mem>>, %arg18: memref<!tpu.dma_semaphore, #tpu.memory_space<semaphore_mem>>, %arg19: memref<!tpu.dma_semaphore, #tpu.memory_space<semaphore_mem>>, %arg20: memref<!tpu.dma_semaphore, #tpu.memory_space<semaphore_mem>>, %arg21: memref<!tpu.dma_semaphore, #tpu.memory_space<semaphore_mem>>) attributes {dimension_semantics = [#tpu.dimension_semantics<core_parallel>, #tpu.dimension_semantics<subcore_parallel>], iteration_bounds = array<i64: 2, 16>, scalar_prefetch = 0 : i64, scratch_operands = 17 : i64, tpu.core_type = #tpu.core_type<sc_vector_subcore>, window_params = [{transform_indices = #map}, {transform_indices = #map1}, {transform_indices = #map2}]} {
    %scan3A = arith.constant 0 : i32
    %scan3A_0 = arith.constant 0 : i32
    %scan3A_1 = arith.constant 64 : i32
    %scan3A_2 = arith.addi %scan3A_0, %scan3A_1 : i32
    %scan3A_3 = arith.constant 1 : i32
    scf.for %scan3A_276 = %scan3A_0 to %scan3A_2 step %scan3A_3  : i32 {
      %broadcast_in_dim3A_277 = arith.constant 0.000000e+00 : f32
      %broadcast_in_dim3A_278 = vector.broadcast %broadcast_in_dim3A_277 : f32 to vector<16xf32>
      %swap3A_279 = arith.constant 0 : i32
      %swap3A_280 = arith.index_cast %swap3A_279 : i32 to index
      %swap3A_281 = arith.index_cast %scan3A_276 : i32 to index
      %swap3A_282 = arith.constant 0 : index
      %swap3A_283 = tpu.vector_load %arg7[%swap3A_280, %swap3A_281, %swap3A_282] {strides = array<i32>} : memref<4x64x144xf32, #tpu.memory_space<vmem>>, vector<1x1x16xf32>,
      %swap3A_284 = vector.shape_cast %swap3A_283 : vector<1x1x16xf32> to vector<16xf32>
      %swap3A_285 = vector.shape_cast %broadcast_in_dim3A_278 : vector<16xf32> to vector<1x1x16xf32>
      tpu.vector_store %arg7[%swap3A_280, %swap3A_281, %swap3A_282], %swap3A_285 {strides = array<i32>} : memref<4x64x144xf32, #tpu.memory_space<vmem>>, vector<1x1x16xf32>,
      %broadcast_in_dim3A_286 = arith.constant 0.000000e+00 : f32
      %broadcast_in_dim3A_287 = vector.broadcast %broadcast_in_dim3A_286 : f32 to vector<16xf32>
      %swap3A_288 = arith.constant 0 : i32
      %swap3A_289 = arith.index_cast %swap3A_288 : i32 to index
      %swap3A_290 = arith.index_cast %scan3A_276 : i32 to index
      %swap3A_291 = arith.constant 16 : index
      %swap3A_292 = tpu.vector_load %arg7[%swap3A_289, %swap3A_290, %swap3A_291] {strides = array<i32>} : memref<4x64x144xf32, #tpu.memory_space<vmem>>, vector<1x1x16xf32>,
      %swap3A_293 = vector.shape_cast %swap3A_292 : vector<1x1x16xf32> to vector<16xf32>
      %swap3A_294 = vector.shape_cast %broadcast_in_dim3A_287 : vector<16xf32> to vector<1x1x16xf32>
      tpu.vector_store %arg7[%swap3A_289, %swap3A_290, %swap3A_291], %swap3A_294 {strides = array<i32>} : memref<4x64x144xf32, #tpu.memory_space<vmem>>, vector<1x1x16xf32>,
      %broadcast_in_dim3A_295 = arith.constant 0.000000e+00 : f32
      %broadcast_in_dim3A_296 = vector.broadcast %broadcast_in_dim3A_295 : f32 to vector<16xf32>
      %swap3A_297 = arith.constant 0 : i32
      %swap3A_298 = arith.index_cast %swap3A_297 : i32 to index
      %swap3A_299 = arith.index_cast %scan3A_276 : i32 to index
      %swap3A_300 = arith.constant 32 : index
      %swap3A_301 = tpu.vector_load %arg7[%swap3A_298, %swap3A_299, %swap3A_300] {strides = array<i32>} : memref<4x64x144xf32, #tpu.memory_space<vmem>>, vector<1x1x16xf32>,
      %swap3A_302 = vector.shape_cast %swap3A_301 : vector<1x1x16xf32> to vector<16xf32>
      %swap3A_303 = vector.shape_cast %broadcast_in_dim3A_296 : vector<16xf32> to vector<1x1x16xf32>
      tpu.vector_store %arg7[%swap3A_298, %swap3A_299, %swap3A_300], %swap3A_303 {strides = array<i32>} : memref<4x64x144xf32, #tpu.memory_space<vmem>>, vector<1x1x16xf32>,
      %broadcast_in_dim3A_304 = arith.constant 0.000000e+00 : f32
      %broadcast_in_dim3A_305 = vector.broadcast %broadcast_in_dim3A_304 : f32 to vector<16xf32>
      %swap3A_306 = arith.constant 0 : i32
      %swap3A_307 = arith.index_cast %swap3A_306 : i32 to index
      %swap3A_308 = arith.index_cast %scan3A_276 : i32 to index
      %swap3A_309 = arith.constant 48 : index
      %swap3A_310 = tpu.vector_load %arg7[%swap3A_307, %swap3A_308, %swap3A_309] {strides = array<i32>} : memref<4x64x144xf32, #tpu.memory_space<vmem>>, vector<1x1x16xf32>,
      %swap3A_311 = vector.shape_cast %swap3A_310 : vector<1x1x16xf32> to vector<16xf32>
      %swap3A_312 = vector.shape_cast %broadcast_in_dim3A_305 : vector<16xf32> to vector<1x1x16xf32>
      tpu.vector_store %arg7[%swap3A_307, %swap3A_308, %swap3A_309], %swap3A_312 {strides = array<i32>} : memref<4x64x144xf32, #tpu.memory_space<vmem>>, vector<1x1x16xf32>,
      %broadcast_in_dim3A_313 = arith.constant 0.000000e+00 : f32
      %broadcast_in_dim3A_314 = vector.broadcast %broadcast_in_dim3A_313 : f32 to vector<16xf32>
      %swap3A_315 = arith.constant 0 : i32
      %swap3A_316 = arith.index_cast %swap3A_315 : i32 to index
      %swap3A_317 = arith.index_cast %scan3A_276 : i32 to index
      %swap3A_318 = arith.constant 64 : index
      %swap3A_319 = tpu.vector_load %arg7[%swap3A_316, %swap3A_317, %swap3A_318] {strides = array<i32>} : memref<4x64x144xf32, #tpu.memory_space<vmem>>, vector<1x1x16xf32>,
      %swap3A_320 = vector.shape_cast %swap3A_319 : vector<1x1x16xf32> to vector<16xf32>
      %swap3A_321 = vector.shape_cast %broadcast_in_dim3A_314 : vector<16xf32> to vector<1x1x16xf32>
      tpu.vector_store %arg7[%swap3A_316, %swap3A_317, %swap3A_318], %swap3A_321 {strides = array<i32>} : memref<4x64x144xf32, #tpu.memory_space<vmem>>, vector<1x1x16xf32>,
      %broadcast_in_dim3A_322 = arith.constant 0.000000e+00 : f32
      %broadcast_in_dim3A_323 = vector.broadcast %broadcast_in_dim3A_322 : f32 to vector<16xf32>
      %swap3A_324 = arith.constant 0 : i32
      %swap3A_325 = arith.index_cast %swap3A_324 : i32 to index
      %swap3A_326 = arith.index_cast %scan3A_276 : i32 to index
      %swap3A_327 = arith.constant 80 : index
      %swap3A_328 = tpu.vector_load %arg7[%swap3A_325, %swap3A_326, %swap3A_327] {strides = array<i32>} : memref<4x64x144xf32, #tpu.memory_space<vmem>>, vector<1x1x16xf32>,
      %swap3A_329 = vector.shape_cast %swap3A_328 : vector<1x1x16xf32> to vector<16xf32>
      %swap3A_330 = vector.shape_cast %broadcast_in_dim3A_323 : vector<16xf32> to vector<1x1x16xf32>
      tpu.vector_store %arg7[%swap3A_325, %swap3A_326, %swap3A_327], %swap3A_330 {strides = array<i32>} : memref<4x64x144xf32, #tpu.memory_space<vmem>>, vector<1x1x16xf32>,
      %broadcast_in_dim3A_331 = arith.constant 0.000000e+00 : f32
      %broadcast_in_dim3A_332 = vector.broadcast %broadcast_in_dim3A_331 : f32 to vector<16xf32>
      %swap3A_333 = arith.constant 0 : i32
      %swap3A_334 = arith.index_cast %swap3A_333 : i32 to index
      %swap3A_335 = arith.index_cast %scan3A_276 : i32 to index
      %swap3A_336 = arith.constant 96 : index
      %swap3A_337 = tpu.vector_load %arg7[%swap3A_334, %swap3A_335, %swap3A_336] {strides = array<i32>} : memref<4x64x144xf32, #tpu.memory_space<vmem>>, vector<1x1x16xf32>,
      %swap3A_338 = vector.shape_cast %swap3A_337 : vector<1x1x16xf32> to vector<16xf32>
      %swap3A_339 = vector.shape_cast %broadcast_in_dim3A_332 : vector<16xf32> to vector<1x1x16xf32>
      tpu.vector_store %arg7[%swap3A_334, %swap3A_335, %swap3A_336], %swap3A_339 {strides = array<i32>} : memref<4x64x144xf32, #tpu.memory_space<vmem>>, vector<1x1x16xf32>,
      %broadcast_in_dim3A_340 = arith.constant 0.000000e+00 : f32
      %broadcast_in_dim3A_341 = vector.broadcast %broadcast_in_dim3A_340 : f32 to vector<16xf32>
      %swap3A_342 = arith.constant 0 : i32
      %swap3A_343 = arith.index_cast %swap3A_342 : i32 to index
      %swap3A_344 = arith.index_cast %scan3A_276 : i32 to index
      %swap3A_345 = arith.constant 112 : index
      %swap3A_346 = tpu.vector_load %arg7[%swap3A_343, %swap3A_344, %swap3A_345] {strides = array<i32>} : memref<4x64x144xf32, #tpu.memory_space<vmem>>, vector<1x1x16xf32>,
      %swap3A_347 = vector.shape_cast %swap3A_346 : vector<1x1x16xf32> to vector<16xf32>
      %swap3A_348 = vector.shape_cast %broadcast_in_dim3A_341 : vector<16xf32> to vector<1x1x16xf32>
      tpu.vector_store %arg7[%swap3A_343, %swap3A_344, %swap3A_345], %swap3A_348 {strides = array<i32>} : memref<4x64x144xf32, #tpu.memory_space<vmem>>, vector<1x1x16xf32>,
      %broadcast_in_dim3A_349 = arith.constant 0.000000e+00 : f32
      %broadcast_in_dim3A_350 = vector.broadcast %broadcast_in_dim3A_349 : f32 to vector<16xf32>
      %swap3A_351 = arith.constant 0 : i32
      %swap3A_352 = arith.index_cast %swap3A_351 : i32 to index
      %swap3A_353 = arith.index_cast %scan3A_276 : i32 to index
      %swap3A_354 = arith.constant 128 : index
      %swap3A_355 = tpu.vector_load %arg7[%swap3A_352, %swap3A_353, %swap3A_354] {strides = array<i32>} : memref<4x64x144xf32, #tpu.memory_space<vmem>>, vector<1x1x16xf32>,
      %swap3A_356 = vector.shape_cast %swap3A_355 : vector<1x1x16xf32> to vector<16xf32>
      %swap3A_357 = vector.shape_cast %broadcast_in_dim3A_350 : vector<16xf32> to vector<1x1x16xf32>
      tpu.vector_store %arg7[%swap3A_352, %swap3A_353, %swap3A_354], %swap3A_357 {strides = array<i32>} : memref<4x64x144xf32, #tpu.memory_space<vmem>>, vector<1x1x16xf32>,
      %broadcast_in_dim3A_358 = arith.constant 0.000000e+00 : f32
      %broadcast_in_dim3A_359 = vector.broadcast %broadcast_in_dim3A_358 : f32 to vector<16xf32>
      %swap3A_360 = arith.constant 2 : i32
      %swap3A_361 = arith.index_cast %swap3A_360 : i32 to index
      %swap3A_362 = arith.index_cast %scan3A_276 : i32 to index
      %swap3A_363 = arith.constant 0 : index
      %swap3A_364 = tpu.vector_load %arg7[%swap3A_361, %swap3A_362, %swap3A_363] {strides = array<i32>} : memref<4x64x144xf32, #tpu.memory_space<vmem>>, vector<1x1x16xf32>,
      %swap3A_365 = vector.shape_cast %swap3A_364 : vector<1x1x16xf32> to vector<16xf32>
      %swap3A_366 = vector.shape_cast %broadcast_in_dim3A_359 : vector<16xf32> to vector<1x1x16xf32>
      tpu.vector_store %arg7[%swap3A_361, %swap3A_362, %swap3A_363], %swap3A_366 {strides = array<i32>} : memref<4x64x144xf32, #tpu.memory_space<vmem>>, vector<1x1x16xf32>,
      %broadcast_in_dim3A_367 = arith.constant 0.000000e+00 : f32
      %broadcast_in_dim3A_368 = vector.broadcast %broadcast_in_dim3A_367 : f32 to vector<16xf32>
      %swap3A_369 = arith.constant 2 : i32
      %swap3A_370 = arith.index_cast %swap3A_369 : i32 to index
      %swap3A_371 = arith.index_cast %scan3A_276 : i32 to index
      %swap3A_372 = arith.constant 16 : index
      %swap3A_373 = tpu.vector_load %arg7[%swap3A_370, %swap3A_371, %swap3A_372] {strides = array<i32>} : memref<4x64x144xf32, #tpu.memory_space<vmem>>, vector<1x1x16xf32>,
      %swap3A_374 = vector.shape_cast %swap3A_373 : vector<1x1x16xf32> to vector<16xf32>
      %swap3A_375 = vector.shape_cast %broadcast_in_dim3A_368 : vector<16xf32> to vector<1x1x16xf32>
      tpu.vector_store %arg7[%swap3A_370, %swap3A_371, %swap3A_372], %swap3A_375 {strides = array<i32>} : memref<4x64x144xf32, #tpu.memory_space<vmem>>, vector<1x1x16xf32>,
      %broadcast_in_dim3A_376 = arith.constant 0.000000e+00 : f32
      %broadcast_in_dim3A_377 = vector.broadcast %broadcast_in_dim3A_376 : f32 to vector<16xf32>
      %swap3A_378 = arith.constant 2 : i32
      %swap3A_379 = arith.index_cast %swap3A_378 : i32 to index
      %swap3A_380 = arith.index_cast %scan3A_276 : i32 to index
      %swap3A_381 = arith.constant 32 : index
      %swap3A_382 = tpu.vector_load %arg7[%swap3A_379, %swap3A_380, %swap3A_381] {strides = array<i32>} : memref<4x64x144xf32, #tpu.memory_space<vmem>>, vector<1x1x16xf32>,
      %swap3A_383 = vector.shape_cast %swap3A_382 : vector<1x1x16xf32> to vector<16xf32>
      %swap3A_384 = vector.shape_cast %broadcast_in_dim3A_377 : vector<16xf32> to vector<1x1x16xf32>
      tpu.vector_store %arg7[%swap3A_379, %swap3A_380, %swap3A_381], %swap3A_384 {strides = array<i32>} : memref<4x64x144xf32, #tpu.memory_space<vmem>>, vector<1x1x16xf32>,
      %broadcast_in_dim3A_385 = arith.constant 0.000000e+00 : f32
      %broadcast_in_dim3A_386 = vector.broadcast %broadcast_in_dim3A_385 : f32 to vector<16xf32>
      %swap3A_387 = arith.constant 2 : i32
      %swap3A_388 = arith.index_cast %swap3A_387 : i32 to index
      %swap3A_389 = arith.index_cast %scan3A_276 : i32 to index
      %swap3A_390 = arith.constant 48 : index
      %swap3A_391 = tpu.vector_load %arg7[%swap3A_388, %swap3A_389, %swap3A_390] {strides = array<i32>} : memref<4x64x144xf32, #tpu.memory_space<vmem>>, vector<1x1x16xf32>,
      %swap3A_392 = vector.shape_cast %swap3A_391 : vector<1x1x16xf32> to vector<16xf32>
      %swap3A_393 = vector.shape_cast %broadcast_in_dim3A_386 : vector<16xf32> to vector<1x1x16xf32>
      tpu.vector_store %arg7[%swap3A_388, %swap3A_389, %swap3A_390], %swap3A_393 {strides = array<i32>} : memref<4x64x144xf32, #tpu.memory_space<vmem>>, vector<1x1x16xf32>,
      %broadcast_in_dim3A_394 = arith.constant 0.000000e+00 : f32
      %broadcast_in_dim3A_395 = vector.broadcast %broadcast_in_dim3A_394 : f32 to vector<16xf32>
      %swap3A_396 = arith.constant 2 : i32
      %swap3A_397 = arith.index_cast %swap3A_396 : i32 to index
      %swap3A_398 = arith.index_cast %scan3A_276 : i32 to index
      %swap3A_399 = arith.constant 64 : index
      %swap3A_400 = tpu.vector_load %arg7[%swap3A_397, %swap3A_398, %swap3A_399] {strides = array<i32>} : memref<4x64x144xf32, #tpu.memory_space<vmem>>, vector<1x1x16xf32>,
      %swap3A_401 = vector.shape_cast %swap3A_400 : vector<1x1x16xf32> to vector<16xf32>
      %swap3A_402 = vector.shape_cast %broadcast_in_dim3A_395 : vector<16xf32> to vector<1x1x16xf32>
      tpu.vector_store %arg7[%swap3A_397, %swap3A_398, %swap3A_399], %swap3A_402 {strides = array<i32>} : memref<4x64x144xf32, #tpu.memory_space<vmem>>, vector<1x1x16xf32>,
      %broadcast_in_dim3A_403 = arith.constant 0.000000e+00 : f32
      %broadcast_in_dim3A_404 = vector.broadcast %broadcast_in_dim3A_403 : f32 to vector<16xf32>
      %swap3A_405 = arith.constant 2 : i32
      %swap3A_406 = arith.index_cast %swap3A_405 : i32 to index
      %swap3A_407 = arith.index_cast %scan3A_276 : i32 to index
      %swap3A_408 = arith.constant 80 : index
      %swap3A_409 = tpu.vector_load %arg7[%swap3A_406, %swap3A_407, %swap3A_408] {strides = array<i32>} : memref<4x64x144xf32, #tpu.memory_space<vmem>>, vector<1x1x16xf32>,
      %swap3A_410 = vector.shape_cast %swap3A_409 : vector<1x1x16xf32> to vector<16xf32>
      %swap3A_411 = vector.shape_cast %broadcast_in_dim3A_404 : vector<16xf32> to vector<1x1x16xf32>
      tpu.vector_store %arg7[%swap3A_406, %swap3A_407, %swap3A_408], %swap3A_411 {strides = array<i32>} : memref<4x64x144xf32, #tpu.memory_space<vmem>>, vector<1x1x16xf32>,
      %broadcast_in_dim3A_412 = arith.constant 0.000000e+00 : f32
      %broadcast_in_dim3A_413 = vector.broadcast %broadcast_in_dim3A_412 : f32 to vector<16xf32>
      %swap3A_414 = arith.constant 2 : i32
      %swap3A_415 = arith.index_cast %swap3A_414 : i32 to index
      %swap3A_416 = arith.index_cast %scan3A_276 : i32 to index
      %swap3A_417 = arith.constant 96 : index
      %swap3A_418 = tpu.vector_load %arg7[%swap3A_415, %swap3A_416, %swap3A_417] {strides = array<i32>} : memref<4x64x144xf32, #tpu.memory_space<vmem>>, vector<1x1x16xf32>,
      %swap3A_419 = vector.shape_cast %swap3A_418 : vector<1x1x16xf32> to vector<16xf32>
      %swap3A_420 = vector.shape_cast %broadcast_in_dim3A_413 : vector<16xf32> to vector<1x1x16xf32>
      tpu.vector_store %arg7[%swap3A_415, %swap3A_416, %swap3A_417], %swap3A_420 {strides = array<i32>} : memref<4x64x144xf32, #tpu.memory_space<vmem>>, vector<1x1x16xf32>,
      %broadcast_in_dim3A_421 = arith.constant 0.000000e+00 : f32
      %broadcast_in_dim3A_422 = vector.broadcast %broadcast_in_dim3A_421 : f32 to vector<16xf32>
      %swap3A_423 = arith.constant 2 : i32
      %swap3A_424 = arith.index_cast %swap3A_423 : i32 to index
      %swap3A_425 = arith.index_cast %scan3A_276 : i32 to index
      %swap3A_426 = arith.constant 112 : index
      %swap3A_427 = tpu.vector_load %arg7[%swap3A_424, %swap3A_425, %swap3A_426] {strides = array<i32>} : memref<4x64x144xf32, #tpu.memory_space<vmem>>, vector<1x1x16xf32>,
      %swap3A_428 = vector.shape_cast %swap3A_427 : vector<1x1x16xf32> to vector<16xf32>
      %swap3A_429 = vector.shape_cast %broadcast_in_dim3A_422 : vector<16xf32> to vector<1x1x16xf32>
      tpu.vector_store %arg7[%swap3A_424, %swap3A_425, %swap3A_426], %swap3A_429 {strides = array<i32>} : memref<4x64x144xf32, #tpu.memory_space<vmem>>, vector<1x1x16xf32>,
      %broadcast_in_dim3A_430 = arith.constant 0.000000e+00 : f32
      %broadcast_in_dim3A_431 = vector.broadcast %broadcast_in_dim3A_430 : f32 to vector<16xf32>
      %swap3A_432 = arith.constant 2 : i32
      %swap3A_433 = arith.index_cast %swap3A_432 : i32 to index
      %swap3A_434 = arith.index_cast %scan3A_276 : i32 to index
      %swap3A_435 = arith.constant 128 : index
      %swap3A_436 = tpu.vector_load %arg7[%swap3A_433, %swap3A_434, %swap3A_435] {strides = array<i32>} : memref<4x64x144xf32, #tpu.memory_space<vmem>>, vector<1x1x16xf32>,
      %swap3A_437 = vector.shape_cast %swap3A_436 : vector<1x1x16xf32> to vector<16xf32>
      %swap3A_438 = vector.shape_cast %broadcast_in_dim3A_431 : vector<16xf32> to vector<1x1x16xf32>
      tpu.vector_store %arg7[%swap3A_433, %swap3A_434, %swap3A_435], %swap3A_438 {strides = array<i32>} : memref<4x64x144xf32, #tpu.memory_space<vmem>>, vector<1x1x16xf32>,
      %broadcast_in_dim3A_439 = arith.constant 0.000000e+00 : f32
      %broadcast_in_dim3A_440 = vector.broadcast %broadcast_in_dim3A_439 : f32 to vector<16xf32>
      %swap3A_441 = arith.constant 3 : i32
      %swap3A_442 = arith.index_cast %swap3A_441 : i32 to index
      %swap3A_443 = arith.index_cast %scan3A_276 : i32 to index
      %swap3A_444 = arith.constant 0 : index
      %swap3A_445 = tpu.vector_load %arg7[%swap3A_442, %swap3A_443, %swap3A_444] {strides = array<i32>} : memref<4x64x144xf32, #tpu.memory_space<vmem>>, vector<1x1x16xf32>,
      %swap3A_446 = vector.shape_cast %swap3A_445 : vector<1x1x16xf32> to vector<16xf32>
      %swap3A_447 = vector.shape_cast %broadcast_in_dim3A_440 : vector<16xf32> to vector<1x1x16xf32>
      tpu.vector_store %arg7[%swap3A_442, %swap3A_443, %swap3A_444], %swap3A_447 {strides = array<i32>} : memref<4x64x144xf32, #tpu.memory_space<vmem>>, vector<1x1x16xf32>,
      %broadcast_in_dim3A_448 = arith.constant 0.000000e+00 : f32
      %broadcast_in_dim3A_449 = vector.broadcast %broadcast_in_dim3A_448 : f32 to vector<16xf32>
      %swap3A_450 = arith.constant 3 : i32
      %swap3A_451 = arith.index_cast %swap3A_450 : i32 to index
      %swap3A_452 = arith.index_cast %scan3A_276 : i32 to index
      %swap3A_453 = arith.constant 16 : index
      %swap3A_454 = tpu.vector_load %arg7[%swap3A_451, %swap3A_452, %swap3A_453] {strides = array<i32>} : memref<4x64x144xf32, #tpu.memory_space<vmem>>, vector<1x1x16xf32>,
      %swap3A_455 = vector.shape_cast %swap3A_454 : vector<1x1x16xf32> to vector<16xf32>
      %swap3A_456 = vector.shape_cast %broadcast_in_dim3A_449 : vector<16xf32> to vector<1x1x16xf32>
      tpu.vector_store %arg7[%swap3A_451, %swap3A_452, %swap3A_453], %swap3A_456 {strides = array<i32>} : memref<4x64x144xf32, #tpu.memory_space<vmem>>, vector<1x1x16xf32>,
      %broadcast_in_dim3A_457 = arith.constant 0.000000e+00 : f32
      %broadcast_in_dim3A_458 = vector.broadcast %broadcast_in_dim3A_457 : f32 to vector<16xf32>
      %swap3A_459 = arith.constant 3 : i32
      %swap3A_460 = arith.index_cast %swap3A_459 : i32 to index
      %swap3A_461 = arith.index_cast %scan3A_276 : i32 to index
      %swap3A_462 = arith.constant 32 : index
      %swap3A_463 = tpu.vector_load %arg7[%swap3A_460, %swap3A_461, %swap3A_462] {strides = array<i32>} : memref<4x64x144xf32, #tpu.memory_space<vmem>>, vector<1x1x16xf32>,
      %swap3A_464 = vector.shape_cast %swap3A_463 : vector<1x1x16xf32> to vector<16xf32>
      %swap3A_465 = vector.shape_cast %broadcast_in_dim3A_458 : vector<16xf32> to vector<1x1x16xf32>
      tpu.vector_store %arg7[%swap3A_460, %swap3A_461, %swap3A_462], %swap3A_465 {strides = array<i32>} : memref<4x64x144xf32, #tpu.memory_space<vmem>>, vector<1x1x16xf32>,
      %broadcast_in_dim3A_466 = arith.constant 0.000000e+00 : f32
      %broadcast_in_dim3A_467 = vector.broadcast %broadcast_in_dim3A_466 : f32 to vector<16xf32>
      %swap3A_468 = arith.constant 3 : i32
      %swap3A_469 = arith.index_cast %swap3A_468 : i32 to index
      %swap3A_470 = arith.index_cast %scan3A_276 : i32 to index
      %swap3A_471 = arith.constant 48 : index
      %swap3A_472 = tpu.vector_load %arg7[%swap3A_469, %swap3A_470, %swap3A_471] {strides = array<i32>} : memref<4x64x144xf32, #tpu.memory_space<vmem>>, vector<1x1x16xf32>,
      %swap3A_473 = vector.shape_cast %swap3A_472 : vector<1x1x16xf32> to vector<16xf32>
      %swap3A_474 = vector.shape_cast %broadcast_in_dim3A_467 : vector<16xf32> to vector<1x1x16xf32>
      tpu.vector_store %arg7[%swap3A_469, %swap3A_470, %swap3A_471], %swap3A_474 {strides = array<i32>} : memref<4x64x144xf32, #tpu.memory_space<vmem>>, vector<1x1x16xf32>,
      %broadcast_in_dim3A_475 = arith.constant 0.000000e+00 : f32
      %broadcast_in_dim3A_476 = vector.broadcast %broadcast_in_dim3A_475 : f32 to vector<16xf32>
      %swap3A_477 = arith.constant 3 : i32
      %swap3A_478 = arith.index_cast %swap3A_477 : i32 to index
      %swap3A_479 = arith.index_cast %scan3A_276 : i32 to index
      %swap3A_480 = arith.constant 64 : index
      %swap3A_481 = tpu.vector_load %arg7[%swap3A_478, %swap3A_479, %swap3A_480] {strides = array<i32>} : memref<4x64x144xf32, #tpu.memory_space<vmem>>, vector<1x1x16xf32>,
      %swap3A_482 = vector.shape_cast %swap3A_481 : vector<1x1x16xf32> to vector<16xf32>
      %swap3A_483 = vector.shape_cast %broadcast_in_dim3A_476 : vector<16xf32> to vector<1x1x16xf32>
      tpu.vector_store %arg7[%swap3A_478, %swap3A_479, %swap3A_480], %swap3A_483 {strides = array<i32>} : memref<4x64x144xf32, #tpu.memory_space<vmem>>, vector<1x1x16xf32>,
      %broadcast_in_dim3A_484 = arith.constant 0.000000e+00 : f32
      %broadcast_in_dim3A_485 = vector.broadcast %broadcast_in_dim3A_484 : f32 to vector<16xf32>
      %swap3A_486 = arith.constant 3 : i32
      %swap3A_487 = arith.index_cast %swap3A_486 : i32 to index
      %swap3A_488 = arith.index_cast %scan3A_276 : i32 to index
      %swap3A_489 = arith.constant 80 : index
      %swap3A_490 = tpu.vector_load %arg7[%swap3A_487, %swap3A_488, %swap3A_489] {strides = array<i32>} : memref<4x64x144xf32, #tpu.memory_space<vmem>>, vector<1x1x16xf32>,
      %swap3A_491 = vector.shape_cast %swap3A_490 : vector<1x1x16xf32> to vector<16xf32>
      %swap3A_492 = vector.shape_cast %broadcast_in_dim3A_485 : vector<16xf32> to vector<1x1x16xf32>
      tpu.vector_store %arg7[%swap3A_487, %swap3A_488, %swap3A_489], %swap3A_492 {strides = array<i32>} : memref<4x64x144xf32, #tpu.memory_space<vmem>>, vector<1x1x16xf32>,
      %broadcast_in_dim3A_493 = arith.constant 0.000000e+00 : f32
      %broadcast_in_dim3A_494 = vector.broadcast %broadcast_in_dim3A_493 : f32 to vector<16xf32>
      %swap3A_495 = arith.constant 3 : i32
      %swap3A_496 = arith.index_cast %swap3A_495 : i32 to index
      %swap3A_497 = arith.index_cast %scan3A_276 : i32 to index
      %swap3A_498 = arith.constant 96 : index
      %swap3A_499 = tpu.vector_load %arg7[%swap3A_496, %swap3A_497, %swap3A_498] {strides = array<i32>} : memref<4x64x144xf32, #tpu.memory_space<vmem>>, vector<1x1x16xf32>,
      %swap3A_500 = vector.shape_cast %swap3A_499 : vector<1x1x16xf32> to vector<16xf32>
      %swap3A_501 = vector.shape_cast %broadcast_in_dim3A_494 : vector<16xf32> to vector<1x1x16xf32>
      tpu.vector_store %arg7[%swap3A_496, %swap3A_497, %swap3A_498], %swap3A_501 {strides = array<i32>} : memref<4x64x144xf32, #tpu.memory_space<vmem>>, vector<1x1x16xf32>,
      %broadcast_in_dim3A_502 = arith.constant 0.000000e+00 : f32
      %broadcast_in_dim3A_503 = vector.broadcast %broadcast_in_dim3A_502 : f32 to vector<16xf32>
      %swap3A_504 = arith.constant 3 : i32
      %swap3A_505 = arith.index_cast %swap3A_504 : i32 to index
      %swap3A_506 = arith.index_cast %scan3A_276 : i32 to index
      %swap3A_507 = arith.constant 112 : index
      %swap3A_508 = tpu.vector_load %arg7[%swap3A_505, %swap3A_506, %swap3A_507] {strides = array<i32>} : memref<4x64x144xf32, #tpu.memory_space<vmem>>, vector<1x1x16xf32>,
      %swap3A_509 = vector.shape_cast %swap3A_508 : vector<1x1x16xf32> to vector<16xf32>
      %swap3A_510 = vector.shape_cast %broadcast_in_dim3A_503 : vector<16xf32> to vector<1x1x16xf32>
      tpu.vector_store %arg7[%swap3A_505, %swap3A_506, %swap3A_507], %swap3A_510 {strides = array<i32>} : memref<4x64x144xf32, #tpu.memory_space<vmem>>, vector<1x1x16xf32>,
      %broadcast_in_dim3A_511 = arith.constant 0.000000e+00 : f32
      %broadcast_in_dim3A_512 = vector.broadcast %broadcast_in_dim3A_511 : f32 to vector<16xf32>
      %swap3A_513 = arith.constant 3 : i32
      %swap3A_514 = arith.index_cast %swap3A_513 : i32 to index
      %swap3A_515 = arith.index_cast %scan3A_276 : i32 to index
      %swap3A_516 = arith.constant 128 : index
      %swap3A_517 = tpu.vector_load %arg7[%swap3A_514, %swap3A_515, %swap3A_516] {strides = array<i32>} : memref<4x64x144xf32, #tpu.memory_space<vmem>>, vector<1x1x16xf32>,
      %swap3A_518 = vector.shape_cast %swap3A_517 : vector<1x1x16xf32> to vector<16xf32>
      %swap3A_519 = vector.shape_cast %broadcast_in_dim3A_512 : vector<16xf32> to vector<1x1x16xf32>
      tpu.vector_store %arg7[%swap3A_514, %swap3A_515, %swap3A_516], %swap3A_519 {strides = array<i32>} : memref<4x64x144xf32, #tpu.memory_space<vmem>>, vector<1x1x16xf32>,
    }
    %scan3A_4 = arith.constant 64 : i32
    %broadcast_in_dim3A = arith.constant 10000 : i32
    %broadcast_in_dim3A_5 = vector.broadcast %broadcast_in_dim3A : i32 to vector<16xi32>
    %swap3A = arith.constant 0 : i32
    %swap3A_6 = arith.index_cast %swap3A : i32 to index
    %swap3A_7 = arith.constant 0 : index
    %swap3A_8 = tpu.vector_load %arg8[%swap3A_6, %swap3A_7] {strides = array<i32>} : memref<1x64xi32, #tpu.memory_space<vmem>>, vector<1x16xi32>,
    %swap3A_9 = vector.shape_cast %swap3A_8 : vector<1x16xi32> to vector<16xi32>
    %swap3A_10 = vector.shape_cast %broadcast_in_dim3A_5 : vector<16xi32> to vector<1x16xi32>
    tpu.vector_store %arg8[%swap3A_6, %swap3A_7], %swap3A_10 {strides = array<i32>} : memref<1x64xi32, #tpu.memory_space<vmem>>, vector<1x16xi32>,
    %broadcast_in_dim3A_11 = arith.constant 10000 : i32
    %broadcast_in_dim3A_12 = vector.broadcast %broadcast_in_dim3A_11 : i32 to vector<16xi32>
    %swap3A_13 = arith.constant 0 : i32
    %swap3A_14 = arith.index_cast %swap3A_13 : i32 to index
    %swap3A_15 = arith.constant 16 : index
    %swap3A_16 = tpu.vector_load %arg8[%swap3A_14, %swap3A_15] {strides = array<i32>} : memref<1x64xi32, #tpu.memory_space<vmem>>, vector<1x16xi32>,
    %swap3A_17 = vector.shape_cast %swap3A_16 : vector<1x16xi32> to vector<16xi32>
    %swap3A_18 = vector.shape_cast %broadcast_in_dim3A_12 : vector<16xi32> to vector<1x16xi32>
    tpu.vector_store %arg8[%swap3A_14, %swap3A_15], %swap3A_18 {strides = array<i32>} : memref<1x64xi32, #tpu.memory_space<vmem>>, vector<1x16xi32>,
    %broadcast_in_dim3A_19 = arith.constant 10000 : i32
    %broadcast_in_dim3A_20 = vector.broadcast %broadcast_in_dim3A_19 : i32 to vector<16xi32>
    %swap3A_21 = arith.constant 0 : i32
    %swap3A_22 = arith.index_cast %swap3A_21 : i32 to index
    %swap3A_23 = arith.constant 32 : index
    %swap3A_24 = tpu.vector_load %arg8[%swap3A_22, %swap3A_23] {strides = array<i32>} : memref<1x64xi32, #tpu.memory_space<vmem>>, vector<1x16xi32>,
    %swap3A_25 = vector.shape_cast %swap3A_24 : vector<1x16xi32> to vector<16xi32>
    %swap3A_26 = vector.shape_cast %broadcast_in_dim3A_20 : vector<16xi32> to vector<1x16xi32>
    tpu.vector_store %arg8[%swap3A_22, %swap3A_23], %swap3A_26 {strides = array<i32>} : memref<1x64xi32, #tpu.memory_space<vmem>>, vector<1x16xi32>,
    %broadcast_in_dim3A_27 = arith.constant 10000 : i32
    %broadcast_in_dim3A_28 = vector.broadcast %broadcast_in_dim3A_27 : i32 to vector<16xi32>
    %swap3A_29 = arith.constant 0 : i32
    %swap3A_30 = arith.index_cast %swap3A_29 : i32 to index
    %swap3A_31 = arith.constant 48 : index
    %swap3A_32 = tpu.vector_load %arg8[%swap3A_30, %swap3A_31] {strides = array<i32>} : memref<1x64xi32, #tpu.memory_space<vmem>>, vector<1x16xi32>,
    %swap3A_33 = vector.shape_cast %swap3A_32 : vector<1x16xi32> to vector<16xi32>
    %swap3A_34 = vector.shape_cast %broadcast_in_dim3A_28 : vector<16xi32> to vector<1x16xi32>
    tpu.vector_store %arg8[%swap3A_30, %swap3A_31], %swap3A_34 {strides = array<i32>} : memref<1x64xi32, #tpu.memory_space<vmem>>, vector<1x16xi32>,
    %mul3A = arith.constant 626 : i32
    %mul3A_35 = arith.muli %arg1, %mul3A : i32
    %add3A = arith.constant 0 : i32
    %add3A_36 = arith.addi %mul3A_35, %add3A : i32
    %run_scoped3A = arith.constant 0 : i32
    "tpu.region"() ({
      %run_scoped3A_276 = tpu.sem_alloc : memref<!tpu.dma_semaphore, #tpu.memory_space<semaphore_mem>>
      %dma_start3A_277 = arith.constant 0 : i32
      %dma_start3A_278 = arith.constant 0 : i32
      %dma_start3A_279 = tpu.memref_slice %arg7[%run_scoped3A, %dma_start3A_277, %dma_start3A_278] : memref<4x64x144xf32, #tpu.memory_space<vmem>> -> memref<1x64x144xf32, #tpu.memory_space<vmem>>
      %dma_start3A_280 = tpu.memref_squeeze %dma_start3A_279 : memref<1x64x144xf32, #tpu.memory_space<vmem>> -> memref<64x144xf32, #tpu.memory_space<vmem>>
      %dma_start3A_281 = arith.constant 0 : i32
      %dma_start3A_282 = tpu.memref_slice %arg9[%add3A_36, %dma_start3A_281] : memref<10016x144xf32, #tpu.memory_space<vmem_shared>> -> memref<64x144xf32, #tpu.memory_space<vmem_shared>>
      %dma_start3A_283 = arith.constant 0 : i32
      %dma_start3A_284 = tpu.memref_slice %arg9[%add3A_36, %dma_start3A_283] : memref<10016x144xf32, #tpu.memory_space<vmem_shared>> -> memref<64x144xf32, #tpu.memory_space<vmem_shared>>
      %dma_start3A_285 = arith.constant 0 : i32
      %dma_start3A_286 = arith.constant 0 : i32
      %dma_start3A_287 = tpu.memref_slice %arg7[%run_scoped3A, %dma_start3A_285, %dma_start3A_286] : memref<4x64x144xf32, #tpu.memory_space<vmem>> -> memref<1x64x144xf32, #tpu.memory_space<vmem>>
      %dma_start3A_288 = tpu.memref_squeeze %dma_start3A_287 : memref<1x64x144xf32, #tpu.memory_space<vmem>> -> memref<64x144xf32, #tpu.memory_space<vmem>>
      tpu.enqueue_dma source(%dma_start3A_288 : memref<64x144xf32, #tpu.memory_space<vmem>>) target(%dma_start3A_284 : memref<64x144xf32, #tpu.memory_space<vmem_shared>>) target_semaphore(%run_scoped3A_276 : memref<!tpu.dma_semaphore, #tpu.memory_space<semaphore_mem>>)
      %dma_wait3A_289 = arith.constant 0 : i32
      %dma_wait3A_290 = arith.constant 0 : i32
      %dma_wait3A_291 = tpu.memref_slice %arg7[%run_scoped3A, %dma_wait3A_289, %dma_wait3A_290] : memref<4x64x144xf32, #tpu.memory_space<vmem>> -> memref<1x64x144xf32, #tpu.memory_space<vmem>>
      %dma_wait3A_292 = tpu.memref_squeeze %dma_wait3A_291 : memref<1x64x144xf32, #tpu.memory_space<vmem>> -> memref<64x144xf32, #tpu.memory_space<vmem>>
      %dma_wait3A_293 = arith.constant 0 : i32
      %dma_wait3A_294 = tpu.memref_slice %arg9[%add3A_36, %dma_wait3A_293] : memref<10016x144xf32, #tpu.memory_space<vmem_shared>> -> memref<64x144xf32, #tpu.memory_space<vmem_shared>>
      %dma_wait3A_295 = arith.constant 0 : i32
      %dma_wait3A_296 = tpu.memref_slice %arg9[%add3A_36, %dma_wait3A_295] : memref<10016x144xf32, #tpu.memory_space<vmem_shared>> -> memref<64x144xf32, #tpu.memory_space<vmem_shared>>
      %dma_wait3A_297 = arith.constant 0 : i32
      %dma_wait3A_298 = arith.constant 0 : i32
      %dma_wait3A_299 = tpu.memref_slice %arg7[%run_scoped3A, %dma_wait3A_297, %dma_wait3A_298] : memref<4x64x144xf32, #tpu.memory_space<vmem>> -> memref<1x64x144xf32, #tpu.memory_space<vmem>>
      %dma_wait3A_300 = tpu.memref_squeeze %dma_wait3A_299 : memref<1x64x144xf32, #tpu.memory_space<vmem>> -> memref<64x144xf32, #tpu.memory_space<vmem>>
      tpu.wait_dma2 semaphore(%run_scoped3A_276 : memref<!tpu.dma_semaphore, #tpu.memory_space<semaphore_mem>>) src(%dma_wait3A_300 : memref<64x144xf32, #tpu.memory_space<vmem>>) dst(%dma_wait3A_296 : memref<64x144xf32, #tpu.memory_space<vmem_shared>>)
      tpu.yield
    }) : () -> ()
    %add3A_37 = arith.constant 64 : i32
    %add3A_38 = arith.addi %mul3A_35, %add3A_37 : i32
    %run_scoped3A_39 = arith.constant 0 : i32
    "tpu.region"() ({
      %run_scoped3A_276 = tpu.sem_alloc : memref<!tpu.dma_semaphore, #tpu.memory_space<semaphore_mem>>
      %dma_start3A_277 = arith.constant 0 : i32
      %dma_start3A_278 = arith.constant 0 : i32
      %dma_start3A_279 = tpu.memref_slice %arg7[%run_scoped3A_39, %dma_start3A_277, %dma_start3A_278] : memref<4x64x144xf32, #tpu.memory_space<vmem>> -> memref<1x64x144xf32, #tpu.memory_space<vmem>>
      %dma_start3A_280 = tpu.memref_squeeze %dma_start3A_279 : memref<1x64x144xf32, #tpu.memory_space<vmem>> -> memref<64x144xf32, #tpu.memory_space<vmem>>
      %dma_start3A_281 = arith.constant 0 : i32
      %dma_start3A_282 = tpu.memref_slice %arg9[%add3A_38, %dma_start3A_281] : memref<10016x144xf32, #tpu.memory_space<vmem_shared>> -> memref<64x144xf32, #tpu.memory_space<vmem_shared>>
      %dma_start3A_283 = arith.constant 0 : i32
      %dma_start3A_284 = tpu.memref_slice %arg9[%add3A_38, %dma_start3A_283] : memref<10016x144xf32, #tpu.memory_space<vmem_shared>> -> memref<64x144xf32, #tpu.memory_space<vmem_shared>>
      %dma_start3A_285 = arith.constant 0 : i32
      %dma_start3A_286 = arith.constant 0 : i32
      %dma_start3A_287 = tpu.memref_slice %arg7[%run_scoped3A_39, %dma_start3A_285, %dma_start3A_286] : memref<4x64x144xf32, #tpu.memory_space<vmem>> -> memref<1x64x144xf32, #tpu.memory_space<vmem>>
      %dma_start3A_288 = tpu.memref_squeeze %dma_start3A_287 : memref<1x64x144xf32, #tpu.memory_space<vmem>> -> memref<64x144xf32, #tpu.memory_space<vmem>>
      tpu.enqueue_dma source(%dma_start3A_288 : memref<64x144xf32, #tpu.memory_space<vmem>>) target(%dma_start3A_284 : memref<64x144xf32, #tpu.memory_space<vmem_shared>>) target_semaphore(%run_scoped3A_276 : memref<!tpu.dma_semaphore, #tpu.memory_space<semaphore_mem>>)
      %dma_wait3A_289 = arith.constant 0 : i32
      %dma_wait3A_290 = arith.constant 0 : i32
      %dma_wait3A_291 = tpu.memref_slice %arg7[%run_scoped3A_39, %dma_wait3A_289, %dma_wait3A_290] : memref<4x64x144xf32, #tpu.memory_space<vmem>> -> memref<1x64x144xf32, #tpu.memory_space<vmem>>
      %dma_wait3A_292 = tpu.memref_squeeze %dma_wait3A_291 : memref<1x64x144xf32, #tpu.memory_space<vmem>> -> memref<64x144xf32, #tpu.memory_space<vmem>>
      %dma_wait3A_293 = arith.constant 0 : i32
      %dma_wait3A_294 = tpu.memref_slice %arg9[%add3A_38, %dma_wait3A_293] : memref<10016x144xf32, #tpu.memory_space<vmem_shared>> -> memref<64x144xf32, #tpu.memory_space<vmem_shared>>
      %dma_wait3A_295 = arith.constant 0 : i32
      %dma_wait3A_296 = tpu.memref_slice %arg9[%add3A_38, %dma_wait3A_295] : memref<10016x144xf32, #tpu.memory_space<vmem_shared>> -> memref<64x144xf32, #tpu.memory_space<vmem_shared>>
      %dma_wait3A_297 = arith.constant 0 : i32
      %dma_wait3A_298 = arith.constant 0 : i32
      %dma_wait3A_299 = tpu.memref_slice %arg7[%run_scoped3A_39, %dma_wait3A_297, %dma_wait3A_298] : memref<4x64x144xf32, #tpu.memory_space<vmem>> -> memref<1x64x144xf32, #tpu.memory_space<vmem>>
      %dma_wait3A_300 = tpu.memref_squeeze %dma_wait3A_299 : memref<1x64x144xf32, #tpu.memory_space<vmem>> -> memref<64x144xf32, #tpu.memory_space<vmem>>
      tpu.wait_dma2 semaphore(%run_scoped3A_276 : memref<!tpu.dma_semaphore, #tpu.memory_space<semaphore_mem>>) src(%dma_wait3A_300 : memref<64x144xf32, #tpu.memory_space<vmem>>) dst(%dma_wait3A_296 : memref<64x144xf32, #tpu.memory_space<vmem_shared>>)
      tpu.yield
    }) : () -> ()
    %add3A_40 = arith.constant 128 : i32
    %add3A_41 = arith.addi %mul3A_35, %add3A_40 : i32
    %run_scoped3A_42 = arith.constant 0 : i32
    "tpu.region"() ({
      %run_scoped3A_276 = tpu.sem_alloc : memref<!tpu.dma_semaphore, #tpu.memory_space<semaphore_mem>>
      %dma_start3A_277 = arith.constant 0 : i32
      %dma_start3A_278 = arith.constant 0 : i32
      %dma_start3A_279 = tpu.memref_slice %arg7[%run_scoped3A_42, %dma_start3A_277, %dma_start3A_278] : memref<4x64x144xf32, #tpu.memory_space<vmem>> -> memref<1x64x144xf32, #tpu.memory_space<vmem>>
      %dma_start3A_280 = tpu.memref_squeeze %dma_start3A_279 : memref<1x64x144xf32, #tpu.memory_space<vmem>> -> memref<64x144xf32, #tpu.memory_space<vmem>>
      %dma_start3A_281 = arith.constant 0 : i32
      %dma_start3A_282 = tpu.memref_slice %arg9[%add3A_41, %dma_start3A_281] : memref<10016x144xf32, #tpu.memory_space<vmem_shared>> -> memref<64x144xf32, #tpu.memory_space<vmem_shared>>
      %dma_start3A_283 = arith.constant 0 : i32
      %dma_start3A_284 = tpu.memref_slice %arg9[%add3A_41, %dma_start3A_283] : memref<10016x144xf32, #tpu.memory_space<vmem_shared>> -> memref<64x144xf32, #tpu.memory_space<vmem_shared>>
      %dma_start3A_285 = arith.constant 0 : i32
      %dma_start3A_286 = arith.constant 0 : i32
      %dma_start3A_287 = tpu.memref_slice %arg7[%run_scoped3A_42, %dma_start3A_285, %dma_start3A_286] : memref<4x64x144xf32, #tpu.memory_space<vmem>> -> memref<1x64x144xf32, #tpu.memory_space<vmem>>
      %dma_start3A_288 = tpu.memref_squeeze %dma_start3A_287 : memref<1x64x144xf32, #tpu.memory_space<vmem>> -> memref<64x144xf32, #tpu.memory_space<vmem>>
      tpu.enqueue_dma source(%dma_start3A_288 : memref<64x144xf32, #tpu.memory_space<vmem>>) target(%dma_start3A_284 : memref<64x144xf32, #tpu.memory_space<vmem_shared>>) target_semaphore(%run_scoped3A_276 : memref<!tpu.dma_semaphore, #tpu.memory_space<semaphore_mem>>)
      %dma_wait3A_289 = arith.constant 0 : i32
      %dma_wait3A_290 = arith.constant 0 : i32
      %dma_wait3A_291 = tpu.memref_slice %arg7[%run_scoped3A_42, %dma_wait3A_289, %dma_wait3A_290] : memref<4x64x144xf32, #tpu.memory_space<vmem>> -> memref<1x64x144xf32, #tpu.memory_space<vmem>>
      %dma_wait3A_292 = tpu.memref_squeeze %dma_wait3A_291 : memref<1x64x144xf32, #tpu.memory_space<vmem>> -> memref<64x144xf32, #tpu.memory_space<vmem>>
      %dma_wait3A_293 = arith.constant 0 : i32
      %dma_wait3A_294 = tpu.memref_slice %arg9[%add3A_41, %dma_wait3A_293] : memref<10016x144xf32, #tpu.memory_space<vmem_shared>> -> memref<64x144xf32, #tpu.memory_space<vmem_shared>>
      %dma_wait3A_295 = arith.constant 0 : i32
      %dma_wait3A_296 = tpu.memref_slice %arg9[%add3A_41, %dma_wait3A_295] : memref<10016x144xf32, #tpu.memory_space<vmem_shared>> -> memref<64x144xf32, #tpu.memory_space<vmem_shared>>
      %dma_wait3A_297 = arith.constant 0 : i32
      %dma_wait3A_298 = arith.constant 0 : i32
      %dma_wait3A_299 = tpu.memref_slice %arg7[%run_scoped3A_42, %dma_wait3A_297, %dma_wait3A_298] : memref<4x64x144xf32, #tpu.memory_space<vmem>> -> memref<1x64x144xf32, #tpu.memory_space<vmem>>
      %dma_wait3A_300 = tpu.memref_squeeze %dma_wait3A_299 : memref<1x64x144xf32, #tpu.memory_space<vmem>> -> memref<64x144xf32, #tpu.memory_space<vmem>>
      tpu.wait_dma2 semaphore(%run_scoped3A_276 : memref<!tpu.dma_semaphore, #tpu.memory_space<semaphore_mem>>) src(%dma_wait3A_300 : memref<64x144xf32, #tpu.memory_space<vmem>>) dst(%dma_wait3A_296 : memref<64x144xf32, #tpu.memory_space<vmem_shared>>)
      tpu.yield
    }) : () -> ()
    %add3A_43 = arith.constant 192 : i32
    %add3A_44 = arith.addi %mul3A_35, %add3A_43 : i32
    %run_scoped3A_45 = arith.constant 0 : i32
    "tpu.region"() ({
      %run_scoped3A_276 = tpu.sem_alloc : memref<!tpu.dma_semaphore, #tpu.memory_space<semaphore_mem>>
      %dma_start3A_277 = arith.constant 0 : i32
      %dma_start3A_278 = arith.constant 0 : i32
      %dma_start3A_279 = tpu.memref_slice %arg7[%run_scoped3A_45, %dma_start3A_277, %dma_start3A_278] : memref<4x64x144xf32, #tpu.memory_space<vmem>> -> memref<1x64x144xf32, #tpu.memory_space<vmem>>
      %dma_start3A_280 = tpu.memref_squeeze %dma_start3A_279 : memref<1x64x144xf32, #tpu.memory_space<vmem>> -> memref<64x144xf32, #tpu.memory_space<vmem>>
      %dma_start3A_281 = arith.constant 0 : i32
      %dma_start3A_282 = tpu.memref_slice %arg9[%add3A_44, %dma_start3A_281] : memref<10016x144xf32, #tpu.memory_space<vmem_shared>> -> memref<64x144xf32, #tpu.memory_space<vmem_shared>>
      %dma_start3A_283 = arith.constant 0 : i32
      %dma_start3A_284 = tpu.memref_slice %arg9[%add3A_44, %dma_start3A_283] : memref<10016x144xf32, #tpu.memory_space<vmem_shared>> -> memref<64x144xf32, #tpu.memory_space<vmem_shared>>
      %dma_start3A_285 = arith.constant 0 : i32
      %dma_start3A_286 = arith.constant 0 : i32
      %dma_start3A_287 = tpu.memref_slice %arg7[%run_scoped3A_45, %dma_start3A_285, %dma_start3A_286] : memref<4x64x144xf32, #tpu.memory_space<vmem>> -> memref<1x64x144xf32, #tpu.memory_space<vmem>>
      %dma_start3A_288 = tpu.memref_squeeze %dma_start3A_287 : memref<1x64x144xf32, #tpu.memory_space<vmem>> -> memref<64x144xf32, #tpu.memory_space<vmem>>
      tpu.enqueue_dma source(%dma_start3A_288 : memref<64x144xf32, #tpu.memory_space<vmem>>) target(%dma_start3A_284 : memref<64x144xf32, #tpu.memory_space<vmem_shared>>) target_semaphore(%run_scoped3A_276 : memref<!tpu.dma_semaphore, #tpu.memory_space<semaphore_mem>>)
      %dma_wait3A_289 = arith.constant 0 : i32
      %dma_wait3A_290 = arith.constant 0 : i32
      %dma_wait3A_291 = tpu.memref_slice %arg7[%run_scoped3A_45, %dma_wait3A_289, %dma_wait3A_290] : memref<4x64x144xf32, #tpu.memory_space<vmem>> -> memref<1x64x144xf32, #tpu.memory_space<vmem>>
      %dma_wait3A_292 = tpu.memref_squeeze %dma_wait3A_291 : memref<1x64x144xf32, #tpu.memory_space<vmem>> -> memref<64x144xf32, #tpu.memory_space<vmem>>
      %dma_wait3A_293 = arith.constant 0 : i32
      %dma_wait3A_294 = tpu.memref_slice %arg9[%add3A_44, %dma_wait3A_293] : memref<10016x144xf32, #tpu.memory_space<vmem_shared>> -> memref<64x144xf32, #tpu.memory_space<vmem_shared>>
      %dma_wait3A_295 = arith.constant 0 : i32
      %dma_wait3A_296 = tpu.memref_slice %arg9[%add3A_44, %dma_wait3A_295] : memref<10016x144xf32, #tpu.memory_space<vmem_shared>> -> memref<64x144xf32, #tpu.memory_space<vmem_shared>>
      %dma_wait3A_297 = arith.constant 0 : i32
      %dma_wait3A_298 = arith.constant 0 : i32
      %dma_wait3A_299 = tpu.memref_slice %arg7[%run_scoped3A_45, %dma_wait3A_297, %dma_wait3A_298] : memref<4x64x144xf32, #tpu.memory_space<vmem>> -> memref<1x64x144xf32, #tpu.memory_space<vmem>>
      %dma_wait3A_300 = tpu.memref_squeeze %dma_wait3A_299 : memref<1x64x144xf32, #tpu.memory_space<vmem>> -> memref<64x144xf32, #tpu.memory_space<vmem>>
      tpu.wait_dma2 semaphore(%run_scoped3A_276 : memref<!tpu.dma_semaphore, #tpu.memory_space<semaphore_mem>>) src(%dma_wait3A_300 : memref<64x144xf32, #tpu.memory_space<vmem>>) dst(%dma_wait3A_296 : memref<64x144xf32, #tpu.memory_space<vmem_shared>>)
      tpu.yield
    }) : () -> ()
    %add3A_46 = arith.constant 256 : i32
    %add3A_47 = arith.addi %mul3A_35, %add3A_46 : i32
    %run_scoped3A_48 = arith.constant 0 : i32
    "tpu.region"() ({
      %run_scoped3A_276 = tpu.sem_alloc : memref<!tpu.dma_semaphore, #tpu.memory_space<semaphore_mem>>
      %dma_start3A_277 = arith.constant 0 : i32
      %dma_start3A_278 = arith.constant 0 : i32
      %dma_start3A_279 = tpu.memref_slice %arg7[%run_scoped3A_48, %dma_start3A_277, %dma_start3A_278] : memref<4x64x144xf32, #tpu.memory_space<vmem>> -> memref<1x64x144xf32, #tpu.memory_space<vmem>>
      %dma_start3A_280 = tpu.memref_squeeze %dma_start3A_279 : memref<1x64x144xf32, #tpu.memory_space<vmem>> -> memref<64x144xf32, #tpu.memory_space<vmem>>
      %dma_start3A_281 = arith.constant 0 : i32
      %dma_start3A_282 = tpu.memref_slice %arg9[%add3A_47, %dma_start3A_281] : memref<10016x144xf32, #tpu.memory_space<vmem_shared>> -> memref<64x144xf32, #tpu.memory_space<vmem_shared>>
      %dma_start3A_283 = arith.constant 0 : i32
      %dma_start3A_284 = tpu.memref_slice %arg9[%add3A_47, %dma_start3A_283] : memref<10016x144xf32, #tpu.memory_space<vmem_shared>> -> memref<64x144xf32, #tpu.memory_space<vmem_shared>>
      %dma_start3A_285 = arith.constant 0 : i32
      %dma_start3A_286 = arith.constant 0 : i32
      %dma_start3A_287 = tpu.memref_slice %arg7[%run_scoped3A_48, %dma_start3A_285, %dma_start3A_286] : memref<4x64x144xf32, #tpu.memory_space<vmem>> -> memref<1x64x144xf32, #tpu.memory_space<vmem>>
      %dma_start3A_288 = tpu.memref_squeeze %dma_start3A_287 : memref<1x64x144xf32, #tpu.memory_space<vmem>> -> memref<64x144xf32, #tpu.memory_space<vmem>>
      tpu.enqueue_dma source(%dma_start3A_288 : memref<64x144xf32, #tpu.memory_space<vmem>>) target(%dma_start3A_284 : memref<64x144xf32, #tpu.memory_space<vmem_shared>>) target_semaphore(%run_scoped3A_276 : memref<!tpu.dma_semaphore, #tpu.memory_space<semaphore_mem>>)
      %dma_wait3A_289 = arith.constant 0 : i32
      %dma_wait3A_290 = arith.constant 0 : i32
      %dma_wait3A_291 = tpu.memref_slice %arg7[%run_scoped3A_48, %dma_wait3A_289, %dma_wait3A_290] : memref<4x64x144xf32, #tpu.memory_space<vmem>> -> memref<1x64x144xf32, #tpu.memory_space<vmem>>
      %dma_wait3A_292 = tpu.memref_squeeze %dma_wait3A_291 : memref<1x64x144xf32, #tpu.memory_space<vmem>> -> memref<64x144xf32, #tpu.memory_space<vmem>>
      %dma_wait3A_293 = arith.constant 0 : i32
      %dma_wait3A_294 = tpu.memref_slice %arg9[%add3A_47, %dma_wait3A_293] : memref<10016x144xf32, #tpu.memory_space<vmem_shared>> -> memref<64x144xf32, #tpu.memory_space<vmem_shared>>
      %dma_wait3A_295 = arith.constant 0 : i32
      %dma_wait3A_296 = tpu.memref_slice %arg9[%add3A_47, %dma_wait3A_295] : memref<10016x144xf32, #tpu.memory_space<vmem_shared>> -> memref<64x144xf32, #tpu.memory_space<vmem_shared>>
      %dma_wait3A_297 = arith.constant 0 : i32
      %dma_wait3A_298 = arith.constant 0 : i32
      %dma_wait3A_299 = tpu.memref_slice %arg7[%run_scoped3A_48, %dma_wait3A_297, %dma_wait3A_298] : memref<4x64x144xf32, #tpu.memory_space<vmem>> -> memref<1x64x144xf32, #tpu.memory_space<vmem>>
      %dma_wait3A_300 = tpu.memref_squeeze %dma_wait3A_299 : memref<1x64x144xf32, #tpu.memory_space<vmem>> -> memref<64x144xf32, #tpu.memory_space<vmem>>
      tpu.wait_dma2 semaphore(%run_scoped3A_276 : memref<!tpu.dma_semaphore, #tpu.memory_space<semaphore_mem>>) src(%dma_wait3A_300 : memref<64x144xf32, #tpu.memory_space<vmem>>) dst(%dma_wait3A_296 : memref<64x144xf32, #tpu.memory_space<vmem_shared>>)
      tpu.yield
    }) : () -> ()
    %add3A_49 = arith.constant 320 : i32
    %add3A_50 = arith.addi %mul3A_35, %add3A_49 : i32
    %run_scoped3A_51 = arith.constant 0 : i32
    "tpu.region"() ({
      %run_scoped3A_276 = tpu.sem_alloc : memref<!tpu.dma_semaphore, #tpu.memory_space<semaphore_mem>>
      %dma_start3A_277 = arith.constant 0 : i32
      %dma_start3A_278 = arith.constant 0 : i32
      %dma_start3A_279 = tpu.memref_slice %arg7[%run_scoped3A_51, %dma_start3A_277, %dma_start3A_278] : memref<4x64x144xf32, #tpu.memory_space<vmem>> -> memref<1x64x144xf32, #tpu.memory_space<vmem>>
      %dma_start3A_280 = tpu.memref_squeeze %dma_start3A_279 : memref<1x64x144xf32, #tpu.memory_space<vmem>> -> memref<64x144xf32, #tpu.memory_space<vmem>>
      %dma_start3A_281 = arith.constant 0 : i32
      %dma_start3A_282 = tpu.memref_slice %arg9[%add3A_50, %dma_start3A_281] : memref<10016x144xf32, #tpu.memory_space<vmem_shared>> -> memref<64x144xf32, #tpu.memory_space<vmem_shared>>
      %dma_start3A_283 = arith.constant 0 : i32
      %dma_start3A_284 = tpu.memref_slice %arg9[%add3A_50, %dma_start3A_283] : memref<10016x144xf32, #tpu.memory_space<vmem_shared>> -> memref<64x144xf32, #tpu.memory_space<vmem_shared>>
      %dma_start3A_285 = arith.constant 0 : i32
      %dma_start3A_286 = arith.constant 0 : i32
      %dma_start3A_287 = tpu.memref_slice %arg7[%run_scoped3A_51, %dma_start3A_285, %dma_start3A_286] : memref<4x64x144xf32, #tpu.memory_space<vmem>> -> memref<1x64x144xf32, #tpu.memory_space<vmem>>
      %dma_start3A_288 = tpu.memref_squeeze %dma_start3A_287 : memref<1x64x144xf32, #tpu.memory_space<vmem>> -> memref<64x144xf32, #tpu.memory_space<vmem>>
      tpu.enqueue_dma source(%dma_start3A_288 : memref<64x144xf32, #tpu.memory_space<vmem>>) target(%dma_start3A_284 : memref<64x144xf32, #tpu.memory_space<vmem_shared>>) target_semaphore(%run_scoped3A_276 : memref<!tpu.dma_semaphore, #tpu.memory_space<semaphore_mem>>)
      %dma_wait3A_289 = arith.constant 0 : i32
      %dma_wait3A_290 = arith.constant 0 : i32
      %dma_wait3A_291 = tpu.memref_slice %arg7[%run_scoped3A_51, %dma_wait3A_289, %dma_wait3A_290] : memref<4x64x144xf32, #tpu.memory_space<vmem>> -> memref<1x64x144xf32, #tpu.memory_space<vmem>>
      %dma_wait3A_292 = tpu.memref_squeeze %dma_wait3A_291 : memref<1x64x144xf32, #tpu.memory_space<vmem>> -> memref<64x144xf32, #tpu.memory_space<vmem>>
      %dma_wait3A_293 = arith.constant 0 : i32
      %dma_wait3A_294 = tpu.memref_slice %arg9[%add3A_50, %dma_wait3A_293] : memref<10016x144xf32, #tpu.memory_space<vmem_shared>> -> memref<64x144xf32, #tpu.memory_space<vmem_shared>>
      %dma_wait3A_295 = arith.constant 0 : i32
      %dma_wait3A_296 = tpu.memref_slice %arg9[%add3A_50, %dma_wait3A_295] : memref<10016x144xf32, #tpu.memory_space<vmem_shared>> -> memref<64x144xf32, #tpu.memory_space<vmem_shared>>
      %dma_wait3A_297 = arith.constant 0 : i32
      %dma_wait3A_298 = arith.constant 0 : i32
      %dma_wait3A_299 = tpu.memref_slice %arg7[%run_scoped3A_51, %dma_wait3A_297, %dma_wait3A_298] : memref<4x64x144xf32, #tpu.memory_space<vmem>> -> memref<1x64x144xf32, #tpu.memory_space<vmem>>
      %dma_wait3A_300 = tpu.memref_squeeze %dma_wait3A_299 : memref<1x64x144xf32, #tpu.memory_space<vmem>> -> memref<64x144xf32, #tpu.memory_space<vmem>>
      tpu.wait_dma2 semaphore(%run_scoped3A_276 : memref<!tpu.dma_semaphore, #tpu.memory_space<semaphore_mem>>) src(%dma_wait3A_300 : memref<64x144xf32, #tpu.memory_space<vmem>>) dst(%dma_wait3A_296 : memref<64x144xf32, #tpu.memory_space<vmem_shared>>)
      tpu.yield
    }) : () -> ()
    %add3A_52 = arith.constant 384 : i32
    %add3A_53 = arith.addi %mul3A_35, %add3A_52 : i32
    %run_scoped3A_54 = arith.constant 0 : i32
    "tpu.region"() ({
      %run_scoped3A_276 = tpu.sem_alloc : memref<!tpu.dma_semaphore, #tpu.memory_space<semaphore_mem>>
      %dma_start3A_277 = arith.constant 0 : i32
      %dma_start3A_278 = arith.constant 0 : i32
      %dma_start3A_279 = tpu.memref_slice %arg7[%run_scoped3A_54, %dma_start3A_277, %dma_start3A_278] : memref<4x64x144xf32, #tpu.memory_space<vmem>> -> memref<1x64x144xf32, #tpu.memory_space<vmem>>
      %dma_start3A_280 = tpu.memref_squeeze %dma_start3A_279 : memref<1x64x144xf32, #tpu.memory_space<vmem>> -> memref<64x144xf32, #tpu.memory_space<vmem>>
      %dma_start3A_281 = arith.constant 0 : i32
      %dma_start3A_282 = tpu.memref_slice %arg9[%add3A_53, %dma_start3A_281] : memref<10016x144xf32, #tpu.memory_space<vmem_shared>> -> memref<64x144xf32, #tpu.memory_space<vmem_shared>>
      %dma_start3A_283 = arith.constant 0 : i32
      %dma_start3A_284 = tpu.memref_slice %arg9[%add3A_53, %dma_start3A_283] : memref<10016x144xf32, #tpu.memory_space<vmem_shared>> -> memref<64x144xf32, #tpu.memory_space<vmem_shared>>
      %dma_start3A_285 = arith.constant 0 : i32
      %dma_start3A_286 = arith.constant 0 : i32
      %dma_start3A_287 = tpu.memref_slice %arg7[%run_scoped3A_54, %dma_start3A_285, %dma_start3A_286] : memref<4x64x144xf32, #tpu.memory_space<vmem>> -> memref<1x64x144xf32, #tpu.memory_space<vmem>>
      %dma_start3A_288 = tpu.memref_squeeze %dma_start3A_287 : memref<1x64x144xf32, #tpu.memory_space<vmem>> -> memref<64x144xf32, #tpu.memory_space<vmem>>
      tpu.enqueue_dma source(%dma_start3A_288 : memref<64x144xf32, #tpu.memory_space<vmem>>) target(%dma_start3A_284 : memref<64x144xf32, #tpu.memory_space<vmem_shared>>) target_semaphore(%run_scoped3A_276 : memref<!tpu.dma_semaphore, #tpu.memory_space<semaphore_mem>>)
      %dma_wait3A_289 = arith.constant 0 : i32
      %dma_wait3A_290 = arith.constant 0 : i32
      %dma_wait3A_291 = tpu.memref_slice %arg7[%run_scoped3A_54, %dma_wait3A_289, %dma_wait3A_290] : memref<4x64x144xf32, #tpu.memory_space<vmem>> -> memref<1x64x144xf32, #tpu.memory_space<vmem>>
      %dma_wait3A_292 = tpu.memref_squeeze %dma_wait3A_291 : memref<1x64x144xf32, #tpu.memory_space<vmem>> -> memref<64x144xf32, #tpu.memory_space<vmem>>
      %dma_wait3A_293 = arith.constant 0 : i32
      %dma_wait3A_294 = tpu.memref_slice %arg9[%add3A_53, %dma_wait3A_293] : memref<10016x144xf32, #tpu.memory_space<vmem_shared>> -> memref<64x144xf32, #tpu.memory_space<vmem_shared>>
      %dma_wait3A_295 = arith.constant 0 : i32
      %dma_wait3A_296 = tpu.memref_slice %arg9[%add3A_53, %dma_wait3A_295] : memref<10016x144xf32, #tpu.memory_space<vmem_shared>> -> memref<64x144xf32, #tpu.memory_space<vmem_shared>>
      %dma_wait3A_297 = arith.constant 0 : i32
      %dma_wait3A_298 = arith.constant 0 : i32
      %dma_wait3A_299 = tpu.memref_slice %arg7[%run_scoped3A_54, %dma_wait3A_297, %dma_wait3A_298] : memref<4x64x144xf32, #tpu.memory_space<vmem>> -> memref<1x64x144xf32, #tpu.memory_space<vmem>>
      %dma_wait3A_300 = tpu.memref_squeeze %dma_wait3A_299 : memref<1x64x144xf32, #tpu.memory_space<vmem>> -> memref<64x144xf32, #tpu.memory_space<vmem>>
      tpu.wait_dma2 semaphore(%run_scoped3A_276 : memref<!tpu.dma_semaphore, #tpu.memory_space<semaphore_mem>>) src(%dma_wait3A_300 : memref<64x144xf32, #tpu.memory_space<vmem>>) dst(%dma_wait3A_296 : memref<64x144xf32, #tpu.memory_space<vmem_shared>>)
      tpu.yield
    }) : () -> ()
    %add3A_55 = arith.constant 448 : i32
    %add3A_56 = arith.addi %mul3A_35, %add3A_55 : i32
    %run_scoped3A_57 = arith.constant 0 : i32
    "tpu.region"() ({
      %run_scoped3A_276 = tpu.sem_alloc : memref<!tpu.dma_semaphore, #tpu.memory_space<semaphore_mem>>
      %dma_start3A_277 = arith.constant 0 : i32
      %dma_start3A_278 = arith.constant 0 : i32
      %dma_start3A_279 = tpu.memref_slice %arg7[%run_scoped3A_57, %dma_start3A_277, %dma_start3A_278] : memref<4x64x144xf32, #tpu.memory_space<vmem>> -> memref<1x64x144xf32, #tpu.memory_space<vmem>>
      %dma_start3A_280 = tpu.memref_squeeze %dma_start3A_279 : memref<1x64x144xf32, #tpu.memory_space<vmem>> -> memref<64x144xf32, #tpu.memory_space<vmem>>
      %dma_start3A_281 = arith.constant 0 : i32
      %dma_start3A_282 = tpu.memref_slice %arg9[%add3A_56, %dma_start3A_281] : memref<10016x144xf32, #tpu.memory_space<vmem_shared>> -> memref<64x144xf32, #tpu.memory_space<vmem_shared>>
      %dma_start3A_283 = arith.constant 0 : i32
      %dma_start3A_284 = tpu.memref_slice %arg9[%add3A_56, %dma_start3A_283] : memref<10016x144xf32, #tpu.memory_space<vmem_shared>> -> memref<64x144xf32, #tpu.memory_space<vmem_shared>>
      %dma_start3A_285 = arith.constant 0 : i32
      %dma_start3A_286 = arith.constant 0 : i32
      %dma_start3A_287 = tpu.memref_slice %arg7[%run_scoped3A_57, %dma_start3A_285, %dma_start3A_286] : memref<4x64x144xf32, #tpu.memory_space<vmem>> -> memref<1x64x144xf32, #tpu.memory_space<vmem>>
      %dma_start3A_288 = tpu.memref_squeeze %dma_start3A_287 : memref<1x64x144xf32, #tpu.memory_space<vmem>> -> memref<64x144xf32, #tpu.memory_space<vmem>>
      tpu.enqueue_dma source(%dma_start3A_288 : memref<64x144xf32, #tpu.memory_space<vmem>>) target(%dma_start3A_284 : memref<64x144xf32, #tpu.memory_space<vmem_shared>>) target_semaphore(%run_scoped3A_276 : memref<!tpu.dma_semaphore, #tpu.memory_space<semaphore_mem>>)
      %dma_wait3A_289 = arith.constant 0 : i32
      %dma_wait3A_290 = arith.constant 0 : i32
      %dma_wait3A_291 = tpu.memref_slice %arg7[%run_scoped3A_57, %dma_wait3A_289, %dma_wait3A_290] : memref<4x64x144xf32, #tpu.memory_space<vmem>> -> memref<1x64x144xf32, #tpu.memory_space<vmem>>
      %dma_wait3A_292 = tpu.memref_squeeze %dma_wait3A_291 : memref<1x64x144xf32, #tpu.memory_space<vmem>> -> memref<64x144xf32, #tpu.memory_space<vmem>>
      %dma_wait3A_293 = arith.constant 0 : i32
      %dma_wait3A_294 = tpu.memref_slice %arg9[%add3A_56, %dma_wait3A_293] : memref<10016x144xf32, #tpu.memory_space<vmem_shared>> -> memref<64x144xf32, #tpu.memory_space<vmem_shared>>
      %dma_wait3A_295 = arith.constant 0 : i32
      %dma_wait3A_296 = tpu.memref_slice %arg9[%add3A_56, %dma_wait3A_295] : memref<10016x144xf32, #tpu.memory_space<vmem_shared>> -> memref<64x144xf32, #tpu.memory_space<vmem_shared>>
      %dma_wait3A_297 = arith.constant 0 : i32
      %dma_wait3A_298 = arith.constant 0 : i32
      %dma_wait3A_299 = tpu.memref_slice %arg7[%run_scoped3A_57, %dma_wait3A_297, %dma_wait3A_298] : memref<4x64x144xf32, #tpu.memory_space<vmem>> -> memref<1x64x144xf32, #tpu.memory_space<vmem>>
      %dma_wait3A_300 = tpu.memref_squeeze %dma_wait3A_299 : memref<1x64x144xf32, #tpu.memory_space<vmem>> -> memref<64x144xf32, #tpu.memory_space<vmem>>
      tpu.wait_dma2 semaphore(%run_scoped3A_276 : memref<!tpu.dma_semaphore, #tpu.memory_space<semaphore_mem>>) src(%dma_wait3A_300 : memref<64x144xf32, #tpu.memory_space<vmem>>) dst(%dma_wait3A_296 : memref<64x144xf32, #tpu.memory_space<vmem_shared>>)
      tpu.yield
    }) : () -> ()
    %add3A_58 = arith.constant 512 : i32
    %add3A_59 = arith.addi %mul3A_35, %add3A_58 : i32
    %run_scoped3A_60 = arith.constant 0 : i32
    "tpu.region"() ({
      %run_scoped3A_276 = tpu.sem_alloc : memref<!tpu.dma_semaphore, #tpu.memory_space<semaphore_mem>>
      %dma_start3A_277 = arith.constant 0 : i32
      %dma_start3A_278 = arith.constant 0 : i32
      %dma_start3A_279 = tpu.memref_slice %arg7[%run_scoped3A_60, %dma_start3A_277, %dma_start3A_278] : memref<4x64x144xf32, #tpu.memory_space<vmem>> -> memref<1x64x144xf32, #tpu.memory_space<vmem>>
      %dma_start3A_280 = tpu.memref_squeeze %dma_start3A_279 : memref<1x64x144xf32, #tpu.memory_space<vmem>> -> memref<64x144xf32, #tpu.memory_space<vmem>>
      %dma_start3A_281 = arith.constant 0 : i32
      %dma_start3A_282 = tpu.memref_slice %arg9[%add3A_59, %dma_start3A_281] : memref<10016x144xf32, #tpu.memory_space<vmem_shared>> -> memref<64x144xf32, #tpu.memory_space<vmem_shared>>
      %dma_start3A_283 = arith.constant 0 : i32
      %dma_start3A_284 = tpu.memref_slice %arg9[%add3A_59, %dma_start3A_283] : memref<10016x144xf32, #tpu.memory_space<vmem_shared>> -> memref<64x144xf32, #tpu.memory_space<vmem_shared>>
      %dma_start3A_285 = arith.constant 0 : i32
      %dma_start3A_286 = arith.constant 0 : i32
      %dma_start3A_287 = tpu.memref_slice %arg7[%run_scoped3A_60, %dma_start3A_285, %dma_start3A_286] : memref<4x64x144xf32, #tpu.memory_space<vmem>> -> memref<1x64x144xf32, #tpu.memory_space<vmem>>
      %dma_start3A_288 = tpu.memref_squeeze %dma_start3A_287 : memref<1x64x144xf32, #tpu.memory_space<vmem>> -> memref<64x144xf32, #tpu.memory_space<vmem>>
      tpu.enqueue_dma source(%dma_start3A_288 : memref<64x144xf32, #tpu.memory_space<vmem>>) target(%dma_start3A_284 : memref<64x144xf32, #tpu.memory_space<vmem_shared>>) target_semaphore(%run_scoped3A_276 : memref<!tpu.dma_semaphore, #tpu.memory_space<semaphore_mem>>)
      %dma_wait3A_289 = arith.constant 0 : i32
      %dma_wait3A_290 = arith.constant 0 : i32
      %dma_wait3A_291 = tpu.memref_slice %arg7[%run_scoped3A_60, %dma_wait3A_289, %dma_wait3A_290] : memref<4x64x144xf32, #tpu.memory_space<vmem>> -> memref<1x64x144xf32, #tpu.memory_space<vmem>>
      %dma_wait3A_292 = tpu.memref_squeeze %dma_wait3A_291 : memref<1x64x144xf32, #tpu.memory_space<vmem>> -> memref<64x144xf32, #tpu.memory_space<vmem>>
      %dma_wait3A_293 = arith.constant 0 : i32
      %dma_wait3A_294 = tpu.memref_slice %arg9[%add3A_59, %dma_wait3A_293] : memref<10016x144xf32, #tpu.memory_space<vmem_shared>> -> memref<64x144xf32, #tpu.memory_space<vmem_shared>>
      %dma_wait3A_295 = arith.constant 0 : i32
      %dma_wait3A_296 = tpu.memref_slice %arg9[%add3A_59, %dma_wait3A_295] : memref<10016x144xf32, #tpu.memory_space<vmem_shared>> -> memref<64x144xf32, #tpu.memory_space<vmem_shared>>
      %dma_wait3A_297 = arith.constant 0 : i32
      %dma_wait3A_298 = arith.constant 0 : i32
      %dma_wait3A_299 = tpu.memref_slice %arg7[%run_scoped3A_60, %dma_wait3A_297, %dma_wait3A_298] : memref<4x64x144xf32, #tpu.memory_space<vmem>> -> memref<1x64x144xf32, #tpu.memory_space<vmem>>
      %dma_wait3A_300 = tpu.memref_squeeze %dma_wait3A_299 : memref<1x64x144xf32, #tpu.memory_space<vmem>> -> memref<64x144xf32, #tpu.memory_space<vmem>>
      tpu.wait_dma2 semaphore(%run_scoped3A_276 : memref<!tpu.dma_semaphore, #tpu.memory_space<semaphore_mem>>) src(%dma_wait3A_300 : memref<64x144xf32, #tpu.memory_space<vmem>>) dst(%dma_wait3A_296 : memref<64x144xf32, #tpu.memory_space<vmem_shared>>)
      tpu.yield
    }) : () -> ()
    %add3A_61 = arith.constant 626 : i32
    %add3A_62 = arith.addi %mul3A_35, %add3A_61 : i32
    %sub3A = arith.constant 50 : i32
    %sub3A_63 = arith.subi %add3A_62, %sub3A : i32
    %run_scoped3A_64 = arith.constant 0 : i32
    "tpu.region"() ({
      %run_scoped3A_276 = tpu.sem_alloc : memref<!tpu.dma_semaphore, #tpu.memory_space<semaphore_mem>>
      %dma_start3A_277 = arith.constant 0 : i32
      %dma_start3A_278 = arith.constant 0 : i32
      %dma_start3A_279 = tpu.memref_slice %arg7[%run_scoped3A_64, %dma_start3A_277, %dma_start3A_278] : memref<4x64x144xf32, #tpu.memory_space<vmem>> -> memref<1x50x144xf32, #tpu.memory_space<vmem>>
      %dma_start3A_280 = tpu.memref_squeeze %dma_start3A_279 : memref<1x50x144xf32, #tpu.memory_space<vmem>> -> memref<50x144xf32, #tpu.memory_space<vmem>>
      %dma_start3A_281 = arith.constant 0 : i32
      %dma_start3A_282 = tpu.memref_slice %arg9[%sub3A_63, %dma_start3A_281] : memref<10016x144xf32, #tpu.memory_space<vmem_shared>> -> memref<50x144xf32, #tpu.memory_space<vmem_shared>>
      %dma_start3A_283 = arith.constant 0 : i32
      %dma_start3A_284 = tpu.memref_slice %arg9[%sub3A_63, %dma_start3A_283] : memref<10016x144xf32, #tpu.memory_space<vmem_shared>> -> memref<50x144xf32, #tpu.memory_space<vmem_shared>>
      %dma_start3A_285 = arith.constant 0 : i32
      %dma_start3A_286 = arith.constant 0 : i32
      %dma_start3A_287 = tpu.memref_slice %arg7[%run_scoped3A_64, %dma_start3A_285, %dma_start3A_286] : memref<4x64x144xf32, #tpu.memory_space<vmem>> -> memref<1x50x144xf32, #tpu.memory_space<vmem>>
      %dma_start3A_288 = tpu.memref_squeeze %dma_start3A_287 : memref<1x50x144xf32, #tpu.memory_space<vmem>> -> memref<50x144xf32, #tpu.memory_space<vmem>>
      tpu.enqueue_dma source(%dma_start3A_288 : memref<50x144xf32, #tpu.memory_space<vmem>>) target(%dma_start3A_284 : memref<50x144xf32, #tpu.memory_space<vmem_shared>>) target_semaphore(%run_scoped3A_276 : memref<!tpu.dma_semaphore, #tpu.memory_space<semaphore_mem>>)
      %dma_wait3A_289 = arith.constant 0 : i32
      %dma_wait3A_290 = arith.constant 0 : i32
      %dma_wait3A_291 = tpu.memref_slice %arg7[%run_scoped3A_64, %dma_wait3A_289, %dma_wait3A_290] : memref<4x64x144xf32, #tpu.memory_space<vmem>> -> memref<1x50x144xf32, #tpu.memory_space<vmem>>
      %dma_wait3A_292 = tpu.memref_squeeze %dma_wait3A_291 : memref<1x50x144xf32, #tpu.memory_space<vmem>> -> memref<50x144xf32, #tpu.memory_space<vmem>>
      %dma_wait3A_293 = arith.constant 0 : i32
      %dma_wait3A_294 = tpu.memref_slice %arg9[%sub3A_63, %dma_wait3A_293] : memref<10016x144xf32, #tpu.memory_space<vmem_shared>> -> memref<50x144xf32, #tpu.memory_space<vmem_shared>>
      %dma_wait3A_295 = arith.constant 0 : i32
      %dma_wait3A_296 = tpu.memref_slice %arg9[%sub3A_63, %dma_wait3A_295] : memref<10016x144xf32, #tpu.memory_space<vmem_shared>> -> memref<50x144xf32, #tpu.memory_space<vmem_shared>>
      %dma_wait3A_297 = arith.constant 0 : i32
      %dma_wait3A_298 = arith.constant 0 : i32
      %dma_wait3A_299 = tpu.memref_slice %arg7[%run_scoped3A_64, %dma_wait3A_297, %dma_wait3A_298] : memref<4x64x144xf32, #tpu.memory_space<vmem>> -> memref<1x50x144xf32, #tpu.memory_space<vmem>>
      %dma_wait3A_300 = tpu.memref_squeeze %dma_wait3A_299 : memref<1x50x144xf32, #tpu.memory_space<vmem>> -> memref<50x144xf32, #tpu.memory_space<vmem>>
      tpu.wait_dma2 semaphore(%run_scoped3A_276 : memref<!tpu.dma_semaphore, #tpu.memory_space<semaphore_mem>>) src(%dma_wait3A_300 : memref<50x144xf32, #tpu.memory_space<vmem>>) dst(%dma_wait3A_296 : memref<50x144xf32, #tpu.memory_space<vmem_shared>>)
      tpu.yield
    }) : () -> ()
    %barrier3A = arith.constant 0 : index
    tpu.barrier barrier_id(%barrier3A)
    %dma_start3A = arith.constant 0 : i32
    %dma_start3A_65 = arith.constant 0 : i32
    %dma_start3A_66 = arith.constant 0 : i32
    %dma_start3A_67 = arith.constant 0 : i32
    %dma_start3A_68 = tpu.memref_slice %arg5[%dma_start3A_65, %dma_start3A_66, %dma_start3A_67] : memref<4x2x64xi32, #tpu.memory_space<vmem>> -> memref<1x2x64xi32, #tpu.memory_space<vmem>>
    %dma_start3A_69 = tpu.memref_squeeze %dma_start3A_68 : memref<1x2x64xi32, #tpu.memory_space<vmem>> -> memref<2x64xi32, #tpu.memory_space<vmem>>
    %dma_start3A_70 = arith.constant 0 : i32
    %dma_start3A_71 = arith.constant 0 : i32
    %dma_start3A_72 = tpu.memref_slice %arg3[%arg0, %arg1, %dma_start3A, %dma_start3A_70, %dma_start3A_71] : memref<2x16x160x2x64xi32, #tpu.memory_space<hbm>> -> memref<1x1x1x2x64xi32, #tpu.memory_space<hbm>>
    %dma_start3A_73 = tpu.memref_squeeze %dma_start3A_72 : memref<1x1x1x2x64xi32, #tpu.memory_space<hbm>> -> memref<2x64xi32, #tpu.memory_space<hbm>>
    %dma_start3A_74 = arith.constant 0 : i32
    %dma_start3A_75 = arith.constant 0 : i32
    %dma_start3A_76 = tpu.memref_slice %arg5[%dma_start3A_65, %dma_start3A_74, %dma_start3A_75] : memref<4x2x64xi32, #tpu.memory_space<vmem>> -> memref<1x2x64xi32, #tpu.memory_space<vmem>>
    %dma_start3A_77 = tpu.memref_squeeze %dma_start3A_76 : memref<1x2x64xi32, #tpu.memory_space<vmem>> -> memref<2x64xi32, #tpu.memory_space<vmem>>
    %dma_start3A_78 = arith.constant 0 : i32
    %dma_start3A_79 = arith.constant 0 : i32
    %dma_start3A_80 = tpu.memref_slice %arg3[%arg0, %arg1, %dma_start3A, %dma_start3A_78, %dma_start3A_79] : memref<2x16x160x2x64xi32, #tpu.memory_space<hbm>> -> memref<1x1x1x2x64xi32, #tpu.memory_space<hbm>>
    %dma_start3A_81 = tpu.memref_squeeze %dma_start3A_80 : memref<1x1x1x2x64xi32, #tpu.memory_space<hbm>> -> memref<2x64xi32, #tpu.memory_space<hbm>>
    tpu.enqueue_dma source(%dma_start3A_81 : memref<2x64xi32, #tpu.memory_space<hbm>>) target(%dma_start3A_77 : memref<2x64xi32, #tpu.memory_space<vmem>>) target_semaphore(%arg18 : memref<!tpu.dma_semaphore, #tpu.memory_space<semaphore_mem>>)
    %dma_start3A_82 = arith.constant 1 : i32
    %dma_start3A_83 = arith.constant 1 : i32
    %dma_start3A_84 = arith.constant 0 : i32
    %dma_start3A_85 = arith.constant 0 : i32
    %dma_start3A_86 = tpu.memref_slice %arg5[%dma_start3A_83, %dma_start3A_84, %dma_start3A_85] : memref<4x2x64xi32, #tpu.memory_space<vmem>> -> memref<1x2x64xi32, #tpu.memory_space<vmem>>
    %dma_start3A_87 = tpu.memref_squeeze %dma_start3A_86 : memref<1x2x64xi32, #tpu.memory_space<vmem>> -> memref<2x64xi32, #tpu.memory_space<vmem>>
    %dma_start3A_88 = arith.constant 0 : i32
    %dma_start3A_89 = arith.constant 0 : i32
    %dma_start3A_90 = tpu.memref_slice %arg3[%arg0, %arg1, %dma_start3A_82, %dma_start3A_88, %dma_start3A_89] : memref<2x16x160x2x64xi32, #tpu.memory_space<hbm>> -> memref<1x1x1x2x64xi32, #tpu.memory_space<hbm>>
    %dma_start3A_91 = tpu.memref_squeeze %dma_start3A_90 : memref<1x1x1x2x64xi32, #tpu.memory_space<hbm>> -> memref<2x64xi32, #tpu.memory_space<hbm>>
    %dma_start3A_92 = arith.constant 0 : i32
    %dma_start3A_93 = arith.constant 0 : i32
    %dma_start3A_94 = tpu.memref_slice %arg5[%dma_start3A_83, %dma_start3A_92, %dma_start3A_93] : memref<4x2x64xi32, #tpu.memory_space<vmem>> -> memref<1x2x64xi32, #tpu.memory_space<vmem>>
    %dma_start3A_95 = tpu.memref_squeeze %dma_start3A_94 : memref<1x2x64xi32, #tpu.memory_space<vmem>> -> memref<2x64xi32, #tpu.memory_space<vmem>>
    %dma_start3A_96 = arith.constant 0 : i32
    %dma_start3A_97 = arith.constant 0 : i32
    %dma_start3A_98 = tpu.memref_slice %arg3[%arg0, %arg1, %dma_start3A_82, %dma_start3A_96, %dma_start3A_97] : memref<2x16x160x2x64xi32, #tpu.memory_space<hbm>> -> memref<1x1x1x2x64xi32, #tpu.memory_space<hbm>>
    %dma_start3A_99 = tpu.memref_squeeze %dma_start3A_98 : memref<1x1x1x2x64xi32, #tpu.memory_space<hbm>> -> memref<2x64xi32, #tpu.memory_space<hbm>>
    tpu.enqueue_dma source(%dma_start3A_99 : memref<2x64xi32, #tpu.memory_space<hbm>>) target(%dma_start3A_95 : memref<2x64xi32, #tpu.memory_space<vmem>>) target_semaphore(%arg19 : memref<!tpu.dma_semaphore, #tpu.memory_space<semaphore_mem>>)
    %dma_start3A_100 = arith.constant 2 : i32
    %dma_start3A_101 = arith.constant 2 : i32
    %dma_start3A_102 = arith.constant 0 : i32
    %dma_start3A_103 = arith.constant 0 : i32
    %dma_start3A_104 = tpu.memref_slice %arg5[%dma_start3A_101, %dma_start3A_102, %dma_start3A_103] : memref<4x2x64xi32, #tpu.memory_space<vmem>> -> memref<1x2x64xi32, #tpu.memory_space<vmem>>
    %dma_start3A_105 = tpu.memref_squeeze %dma_start3A_104 : memref<1x2x64xi32, #tpu.memory_space<vmem>> -> memref<2x64xi32, #tpu.memory_space<vmem>>
    %dma_start3A_106 = arith.constant 0 : i32
    %dma_start3A_107 = arith.constant 0 : i32
    %dma_start3A_108 = tpu.memref_slice %arg3[%arg0, %arg1, %dma_start3A_100, %dma_start3A_106, %dma_start3A_107] : memref<2x16x160x2x64xi32, #tpu.memory_space<hbm>> -> memref<1x1x1x2x64xi32, #tpu.memory_space<hbm>>
    %dma_start3A_109 = tpu.memref_squeeze %dma_start3A_108 : memref<1x1x1x2x64xi32, #tpu.memory_space<hbm>> -> memref<2x64xi32, #tpu.memory_space<hbm>>
    %dma_start3A_110 = arith.constant 0 : i32
    %dma_start3A_111 = arith.constant 0 : i32
    %dma_start3A_112 = tpu.memref_slice %arg5[%dma_start3A_101, %dma_start3A_110, %dma_start3A_111] : memref<4x2x64xi32, #tpu.memory_space<vmem>> -> memref<1x2x64xi32, #tpu.memory_space<vmem>>
    %dma_start3A_113 = tpu.memref_squeeze %dma_start3A_112 : memref<1x2x64xi32, #tpu.memory_space<vmem>> -> memref<2x64xi32, #tpu.memory_space<vmem>>
    %dma_start3A_114 = arith.constant 0 : i32
    %dma_start3A_115 = arith.constant 0 : i32
    %dma_start3A_116 = tpu.memref_slice %arg3[%arg0, %arg1, %dma_start3A_100, %dma_start3A_114, %dma_start3A_115] : memref<2x16x160x2x64xi32, #tpu.memory_space<hbm>> -> memref<1x1x1x2x64xi32, #tpu.memory_space<hbm>>
    %dma_start3A_117 = tpu.memref_squeeze %dma_start3A_116 : memref<1x1x1x2x64xi32, #tpu.memory_space<hbm>> -> memref<2x64xi32, #tpu.memory_space<hbm>>
    tpu.enqueue_dma source(%dma_start3A_117 : memref<2x64xi32, #tpu.memory_space<hbm>>) target(%dma_start3A_113 : memref<2x64xi32, #tpu.memory_space<vmem>>) target_semaphore(%arg20 : memref<!tpu.dma_semaphore, #tpu.memory_space<semaphore_mem>>)
    %dma_start3A_118 = arith.constant 3 : i32
    %dma_start3A_119 = arith.constant 3 : i32
    %dma_start3A_120 = arith.constant 0 : i32
    %dma_start3A_121 = arith.constant 0 : i32
    %dma_start3A_122 = tpu.memref_slice %arg5[%dma_start3A_119, %dma_start3A_120, %dma_start3A_121] : memref<4x2x64xi32, #tpu.memory_space<vmem>> -> memref<1x2x64xi32, #tpu.memory_space<vmem>>
    %dma_start3A_123 = tpu.memref_squeeze %dma_start3A_122 : memref<1x2x64xi32, #tpu.memory_space<vmem>> -> memref<2x64xi32, #tpu.memory_space<vmem>>
    %dma_start3A_124 = arith.constant 0 : i32
    %dma_start3A_125 = arith.constant 0 : i32
    %dma_start3A_126 = tpu.memref_slice %arg3[%arg0, %arg1, %dma_start3A_118, %dma_start3A_124, %dma_start3A_125] : memref<2x16x160x2x64xi32, #tpu.memory_space<hbm>> -> memref<1x1x1x2x64xi32, #tpu.memory_space<hbm>>
    %dma_start3A_127 = tpu.memref_squeeze %dma_start3A_126 : memref<1x1x1x2x64xi32, #tpu.memory_space<hbm>> -> memref<2x64xi32, #tpu.memory_space<hbm>>
    %dma_start3A_128 = arith.constant 0 : i32
    %dma_start3A_129 = arith.constant 0 : i32
    %dma_start3A_130 = tpu.memref_slice %arg5[%dma_start3A_119, %dma_start3A_128, %dma_start3A_129] : memref<4x2x64xi32, #tpu.memory_space<vmem>> -> memref<1x2x64xi32, #tpu.memory_space<vmem>>
    %dma_start3A_131 = tpu.memref_squeeze %dma_start3A_130 : memref<1x2x64xi32, #tpu.memory_space<vmem>> -> memref<2x64xi32, #tpu.memory_space<vmem>>
    %dma_start3A_132 = arith.constant 0 : i32
    %dma_start3A_133 = arith.constant 0 : i32
    %dma_start3A_134 = tpu.memref_slice %arg3[%arg0, %arg1, %dma_start3A_118, %dma_start3A_132, %dma_start3A_133] : memref<2x16x160x2x64xi32, #tpu.memory_space<hbm>> -> memref<1x1x1x2x64xi32, #tpu.memory_space<hbm>>
    %dma_start3A_135 = tpu.memref_squeeze %dma_start3A_134 : memref<1x1x1x2x64xi32, #tpu.memory_space<hbm>> -> memref<2x64xi32, #tpu.memory_space<hbm>>
    tpu.enqueue_dma source(%dma_start3A_135 : memref<2x64xi32, #tpu.memory_space<hbm>>) target(%dma_start3A_131 : memref<2x64xi32, #tpu.memory_space<vmem>>) target_semaphore(%arg21 : memref<!tpu.dma_semaphore, #tpu.memory_space<semaphore_mem>>)
    %dma_wait3A = arith.constant 0 : i32
    %dma_wait3A_136 = arith.constant 0 : i32
    %dma_wait3A_137 = arith.constant 0 : i32
    %dma_wait3A_138 = arith.constant 0 : i32
    %dma_wait3A_139 = tpu.memref_slice %arg5[%dma_wait3A_136, %dma_wait3A_137, %dma_wait3A_138] : memref<4x2x64xi32, #tpu.memory_space<vmem>> -> memref<1x2x64xi32, #tpu.memory_space<vmem>>
    %dma_wait3A_140 = tpu.memref_squeeze %dma_wait3A_139 : memref<1x2x64xi32, #tpu.memory_space<vmem>> -> memref<2x64xi32, #tpu.memory_space<vmem>>
    %dma_wait3A_141 = arith.constant 0 : i32
    %dma_wait3A_142 = arith.constant 0 : i32
    %dma_wait3A_143 = tpu.memref_slice %arg3[%arg0, %arg1, %dma_wait3A, %dma_wait3A_141, %dma_wait3A_142] : memref<2x16x160x2x64xi32, #tpu.memory_space<hbm>> -> memref<1x1x1x2x64xi32, #tpu.memory_space<hbm>>
    %dma_wait3A_144 = tpu.memref_squeeze %dma_wait3A_143 : memref<1x1x1x2x64xi32, #tpu.memory_space<hbm>> -> memref<2x64xi32, #tpu.memory_space<hbm>>
    %dma_wait3A_145 = arith.constant 0 : i32
    %dma_wait3A_146 = arith.constant 0 : i32
    %dma_wait3A_147 = tpu.memref_slice %arg5[%dma_wait3A_136, %dma_wait3A_145, %dma_wait3A_146] : memref<4x2x64xi32, #tpu.memory_space<vmem>> -> memref<1x2x64xi32, #tpu.memory_space<vmem>>
    %dma_wait3A_148 = tpu.memref_squeeze %dma_wait3A_147 : memref<1x2x64xi32, #tpu.memory_space<vmem>> -> memref<2x64xi32, #tpu.memory_space<vmem>>
    %dma_wait3A_149 = arith.constant 0 : i32
    %dma_wait3A_150 = arith.constant 0 : i32
    %dma_wait3A_151 = tpu.memref_slice %arg3[%arg0, %arg1, %dma_wait3A, %dma_wait3A_149, %dma_wait3A_150] : memref<2x16x160x2x64xi32, #tpu.memory_space<hbm>> -> memref<1x1x1x2x64xi32, #tpu.memory_space<hbm>>
    %dma_wait3A_152 = tpu.memref_squeeze %dma_wait3A_151 : memref<1x1x1x2x64xi32, #tpu.memory_space<hbm>> -> memref<2x64xi32, #tpu.memory_space<hbm>>
    tpu.wait_dma2 semaphore(%arg18 : memref<!tpu.dma_semaphore, #tpu.memory_space<semaphore_mem>>) src(%dma_wait3A_152 : memref<2x64xi32, #tpu.memory_space<hbm>>) dst(%dma_wait3A_148 : memref<2x64xi32, #tpu.memory_space<vmem>>)
    %dma_start3A_153 = arith.constant 0 : i32
    %dma_start3A_154 = arith.constant 0 : i32
    %dma_start3A_155 = arith.constant 0 : i32
    %dma_start3A_156 = arith.constant 0 : i32
    %dma_start3A_157 = arith.constant 0 : i32
    %dma_start3A_158 = tpu.memref_slice %arg7[%dma_start3A_155, %dma_start3A_156, %dma_start3A_157] : memref<4x64x144xf32, #tpu.memory_space<vmem>> -> memref<1x64x144xf32, #tpu.memory_space<vmem>>
    %dma_start3A_159 = tpu.memref_squeeze %dma_start3A_158 : memref<1x64x144xf32, #tpu.memory_space<vmem>> -> memref<64x144xf32, #tpu.memory_space<vmem>>
    %dma_start3A_160 = arith.constant 0 : i32
    %dma_start3A_161 = tpu.memref_slice %arg5[%dma_start3A_153, %dma_start3A_154, %dma_start3A_160] : memref<4x2x64xi32, #tpu.memory_space<vmem>> -> memref<1x1x64xi32, #tpu.memory_space<vmem>>
    %dma_start3A_162 = tpu.memref_squeeze %dma_start3A_161 : memref<1x1x64xi32, #tpu.memory_space<vmem>> -> memref<64xi32, #tpu.memory_space<vmem>>
    %dma_start3A_163 = arith.constant 0 : i32
    %dma_start3A_164 = arith.constant 0 : i32
    %dma_start3A_165 = tpu.memref_slice %arg2[%dma_start3A_163, %dma_start3A_164] : memref<20000x144xf32, #tpu.memory_space<hbm>> -> memref<20000x144xf32, #tpu.memory_space<hbm>>
    tpu.enqueue_indirect_dma source(%dma_start3A_165 : memref<20000x144xf32, #tpu.memory_space<hbm>>) target(%dma_start3A_159 : memref<64x144xf32, #tpu.memory_space<vmem>>) offsets(%dma_start3A_162 : memref<64xi32, #tpu.memory_space<vmem>>) semaphore(%arg10 : memref<!tpu.dma_semaphore, #tpu.memory_space<semaphore_mem>>)
    %dma_wait3A_166 = arith.constant 1 : i32
    %dma_wait3A_167 = arith.constant 1 : i32
    %dma_wait3A_168 = arith.constant 0 : i32
    %dma_wait3A_169 = arith.constant 0 : i32
    %dma_wait3A_170 = tpu.memref_slice %arg5[%dma_wait3A_167, %dma_wait3A_168, %dma_wait3A_169] : memref<4x2x64xi32, #tpu.memory_space<vmem>> -> memref<1x2x64xi32, #tpu.memory_space<vmem>>
    %dma_wait3A_171 = tpu.memref_squeeze %dma_wait3A_170 : memref<1x2x64xi32, #tpu.memory_space<vmem>> -> memref<2x64xi32, #tpu.memory_space<vmem>>
    %dma_wait3A_172 = arith.constant 0 : i32
    %dma_wait3A_173 = arith.constant 0 : i32
    %dma_wait3A_174 = tpu.memref_slice %arg3[%arg0, %arg1, %dma_wait3A_166, %dma_wait3A_172, %dma_wait3A_173] : memref<2x16x160x2x64xi32, #tpu.memory_space<hbm>> -> memref<1x1x1x2x64xi32, #tpu.memory_space<hbm>>
    %dma_wait3A_175 = tpu.memref_squeeze %dma_wait3A_174 : memref<1x1x1x2x64xi32, #tpu.memory_space<hbm>> -> memref<2x64xi32, #tpu.memory_space<hbm>>
    %dma_wait3A_176 = arith.constant 0 : i32
    %dma_wait3A_177 = arith.constant 0 : i32
    %dma_wait3A_178 = tpu.memref_slice %arg5[%dma_wait3A_167, %dma_wait3A_176, %dma_wait3A_177] : memref<4x2x64xi32, #tpu.memory_space<vmem>> -> memref<1x2x64xi32, #tpu.memory_space<vmem>>
    %dma_wait3A_179 = tpu.memref_squeeze %dma_wait3A_178 : memref<1x2x64xi32, #tpu.memory_space<vmem>> -> memref<2x64xi32, #tpu.memory_space<vmem>>
    %dma_wait3A_180 = arith.constant 0 : i32
    %dma_wait3A_181 = arith.constant 0 : i32
    %dma_wait3A_182 = tpu.memref_slice %arg3[%arg0, %arg1, %dma_wait3A_166, %dma_wait3A_180, %dma_wait3A_181] : memref<2x16x160x2x64xi32, #tpu.memory_space<hbm>> -> memref<1x1x1x2x64xi32, #tpu.memory_space<hbm>>
    %dma_wait3A_183 = tpu.memref_squeeze %dma_wait3A_182 : memref<1x1x1x2x64xi32, #tpu.memory_space<hbm>> -> memref<2x64xi32, #tpu.memory_space<hbm>>
    tpu.wait_dma2 semaphore(%arg19 : memref<!tpu.dma_semaphore, #tpu.memory_space<semaphore_mem>>) src(%dma_wait3A_183 : memref<2x64xi32, #tpu.memory_space<hbm>>) dst(%dma_wait3A_179 : memref<2x64xi32, #tpu.memory_space<vmem>>)
    %dma_start3A_184 = arith.constant 1 : i32
    %dma_start3A_185 = arith.constant 0 : i32
    %dma_start3A_186 = arith.constant 1 : i32
    %dma_start3A_187 = arith.constant 0 : i32
    %dma_start3A_188 = arith.constant 0 : i32
    %dma_start3A_189 = tpu.memref_slice %arg7[%dma_start3A_186, %dma_start3A_187, %dma_start3A_188] : memref<4x64x144xf32, #tpu.memory_space<vmem>> -> memref<1x64x144xf32, #tpu.memory_space<vmem>>
    %dma_start3A_190 = tpu.memref_squeeze %dma_start3A_189 : memref<1x64x144xf32, #tpu.memory_space<vmem>> -> memref<64x144xf32, #tpu.memory_space<vmem>>
    %dma_start3A_191 = arith.constant 0 : i32
    %dma_start3A_192 = tpu.memref_slice %arg5[%dma_start3A_184, %dma_start3A_185, %dma_start3A_191] : memref<4x2x64xi32, #tpu.memory_space<vmem>> -> memref<1x1x64xi32, #tpu.memory_space<vmem>>
    %dma_start3A_193 = tpu.memref_squeeze %dma_start3A_192 : memref<1x1x64xi32, #tpu.memory_space<vmem>> -> memref<64xi32, #tpu.memory_space<vmem>>
    %dma_start3A_194 = arith.constant 0 : i32
    %dma_start3A_195 = arith.constant 0 : i32
    %dma_start3A_196 = tpu.memref_slice %arg2[%dma_start3A_194, %dma_start3A_195] : memref<20000x144xf32, #tpu.memory_space<hbm>> -> memref<20000x144xf32, #tpu.memory_space<hbm>>
    tpu.enqueue_indirect_dma source(%dma_start3A_196 : memref<20000x144xf32, #tpu.memory_space<hbm>>) target(%dma_start3A_190 : memref<64x144xf32, #tpu.memory_space<vmem>>) offsets(%dma_start3A_193 : memref<64xi32, #tpu.memory_space<vmem>>) semaphore(%arg11 : memref<!tpu.dma_semaphore, #tpu.memory_space<semaphore_mem>>)
    %dma_start3A_197 = arith.constant 2 : i32
    %dma_start3A_198 = arith.constant 0 : i32
    %dma_start3A_199 = arith.constant 0 : i32
    %dma_start3A_200 = arith.constant 0 : i32
    %dma_start3A_201 = tpu.memref_slice %arg7[%dma_start3A_197, %dma_start3A_199, %dma_start3A_200] : memref<4x64x144xf32, #tpu.memory_space<vmem>> -> memref<1x64x144xf32, #tpu.memory_space<vmem>>
    %dma_start3A_202 = tpu.memref_squeeze %dma_start3A_201 : memref<1x64x144xf32, #tpu.memory_space<vmem>> -> memref<64x144xf32, #tpu.memory_space<vmem>>
    %dma_start3A_203 = arith.constant 0 : i32
    %dma_start3A_204 = tpu.memref_slice %arg8[%dma_start3A_198, %dma_start3A_203] : memref<1x64xi32, #tpu.memory_space<vmem>> -> memref<1x64xi32, #tpu.memory_space<vmem>>
    %dma_start3A_205 = tpu.memref_squeeze %dma_start3A_204 : memref<1x64xi32, #tpu.memory_space<vmem>> -> memref<64xi32, #tpu.memory_space<vmem>>
    %dma_start3A_206 = arith.constant 0 : i32
    %dma_start3A_207 = arith.constant 0 : i32
    %dma_start3A_208 = tpu.memref_slice %arg9[%dma_start3A_206, %dma_start3A_207] : memref<10016x144xf32, #tpu.memory_space<vmem_shared>> -> memref<10016x144xf32, #tpu.memory_space<vmem_shared>>
    tpu.enqueue_indirect_dma source(%dma_start3A_202 : memref<64x144xf32, #tpu.memory_space<vmem>>) target(%dma_start3A_208 : memref<10016x144xf32, #tpu.memory_space<vmem_shared>>) offsets(%dma_start3A_205 : memref<64xi32, #tpu.memory_space<vmem>>) semaphore(%arg16 : memref<!tpu.dma_semaphore, #tpu.memory_space<semaphore_mem>>) {add = true}
    %dma_start3A_209 = arith.constant 3 : i32
    %dma_start3A_210 = arith.constant 0 : i32
    %dma_start3A_211 = arith.constant 0 : i32
    %dma_start3A_212 = arith.constant 0 : i32
    %dma_start3A_213 = tpu.memref_slice %arg7[%dma_start3A_209, %dma_start3A_211, %dma_start3A_212] : memref<4x64x144xf32, #tpu.memory_space<vmem>> -> memref<1x64x144xf32, #tpu.memory_space<vmem>>
    %dma_start3A_214 = tpu.memref_squeeze %dma_start3A_213 : memref<1x64x144xf32, #tpu.memory_space<vmem>> -> memref<64x144xf32, #tpu.memory_space<vmem>>
    %dma_start3A_215 = arith.constant 0 : i32
    %dma_start3A_216 = tpu.memref_slice %arg8[%dma_start3A_210, %dma_start3A_215] : memref<1x64xi32, #tpu.memory_space<vmem>> -> memref<1x64xi32, #tpu.memory_space<vmem>>
    %dma_start3A_217 = tpu.memref_squeeze %dma_start3A_216 : memref<1x64xi32, #tpu.memory_space<vmem>> -> memref<64xi32, #tpu.memory_space<vmem>>
    %dma_start3A_218 = arith.constant 0 : i32
    %dma_start3A_219 = arith.constant 0 : i32
    %dma_start3A_220 = tpu.memref_slice %arg9[%dma_start3A_218, %dma_start3A_219] : memref<10016x144xf32, #tpu.memory_space<vmem_shared>> -> memref<10016x144xf32, #tpu.memory_space<vmem_shared>>
    tpu.enqueue_indirect_dma source(%dma_start3A_214 : memref<64x144xf32, #tpu.memory_space<vmem>>) target(%dma_start3A_220 : memref<10016x144xf32, #tpu.memory_space<vmem_shared>>) offsets(%dma_start3A_217 : memref<64xi32, #tpu.memory_space<vmem>>) semaphore(%arg17 : memref<!tpu.dma_semaphore, #tpu.memory_space<semaphore_mem>>) {add = true}
    %scan3A_221 = arith.constant 0 : i32
    %scan3A_222 = arith.constant 0 : i32
    %scan3A_223 = arith.constant 40 : i32
    %scan3A_224 = arith.addi %scan3A_222, %scan3A_223 : i32
    %scan3A_225 = arith.constant 1 : i32
    scf.for %scan3A_276 = %scan3A_222 to %scan3A_224 step %scan3A_225  : i32 {
      %mul3A_277 = arith.constant 4 : i32
      %mul3A_278 = arith.muli %scan3A_276, %mul3A_277 : i32
      %add3A_279 = arith.constant 0 : i32
      %add3A_280 = arith.addi %mul3A_278, %add3A_279 : i32
      %dma_wait3A_281 = arith.constant 0 : i32
      %dma_wait3A_282 = arith.constant 0 : i32
      %dma_wait3A_283 = arith.constant 0 : i32
      %dma_wait3A_284 = arith.constant 0 : i32
      %dma_wait3A_285 = arith.constant 0 : i32
      %dma_wait3A_286 = tpu.memref_slice %arg7[%dma_wait3A_283, %dma_wait3A_284, %dma_wait3A_285] : memref<4x64x144xf32, #tpu.memory_space<vmem>> -> memref<1x64x144xf32, #tpu.memory_space<vmem>>
      %dma_wait3A_287 = tpu.memref_squeeze %dma_wait3A_286 : memref<1x64x144xf32, #tpu.memory_space<vmem>> -> memref<64x144xf32, #tpu.memory_space<vmem>>
      %dma_wait3A_288 = arith.constant 0 : i32
      %dma_wait3A_289 = tpu.memref_slice %arg5[%dma_wait3A_281, %dma_wait3A_282, %dma_wait3A_288] : memref<4x2x64xi32, #tpu.memory_space<vmem>> -> memref<1x1x64xi32, #tpu.memory_space<vmem>>
      %dma_wait3A_290 = tpu.memref_squeeze %dma_wait3A_289 : memref<1x1x64xi32, #tpu.memory_space<vmem>> -> memref<64xi32, #tpu.memory_space<vmem>>
      %dma_wait3A_291 = arith.constant 0 : i32
      %dma_wait3A_292 = arith.constant 0 : i32
      %dma_wait3A_293 = tpu.memref_slice %arg2[%dma_wait3A_291, %dma_wait3A_292] : memref<20000x144xf32, #tpu.memory_space<hbm>> -> memref<20000x144xf32, #tpu.memory_space<hbm>>
      tpu.wait_indirect_dma semaphore(%arg10 : memref<!tpu.dma_semaphore, #tpu.memory_space<semaphore_mem>>) src(%dma_wait3A_293 : memref<20000x144xf32, #tpu.memory_space<hbm>>) dst(%dma_wait3A_287 : memref<64x144xf32, #tpu.memory_space<vmem>>)
      %get3A = arith.constant 0 : i32
      %get3A_294 = arith.constant 1 : i32
      %get3A_295 = arith.index_cast %get3A : i32 to index
      %get3A_296 = arith.index_cast %get3A_294 : i32 to index
      %get3A_297 = arith.constant 0 : index
      %get3A_298 = tpu.vector_load %arg5[%get3A_295, %get3A_296, %get3A_297] {strides = array<i32>} : memref<4x2x64xi32, #tpu.memory_space<vmem>>, vector<1x1x16xi32>,
      %get3A_299 = vector.shape_cast %get3A_298 : vector<1x1x16xi32> to vector<16xi32>
      %swap3A_300 = arith.constant 0 : i32
      %swap3A_301 = arith.index_cast %swap3A_300 : i32 to index
      %swap3A_302 = arith.constant 0 : index
      %swap3A_303 = tpu.vector_load %arg6[%swap3A_301, %swap3A_302] {strides = array<i32>} : memref<4x64xi32, #tpu.memory_space<vmem>>, vector<1x16xi32>,
      %swap3A_304 = vector.shape_cast %swap3A_303 : vector<1x16xi32> to vector<16xi32>
      %swap3A_305 = vector.shape_cast %get3A_299 : vector<16xi32> to vector<1x16xi32>
      tpu.vector_store %arg6[%swap3A_301, %swap3A_302], %swap3A_305 {strides = array<i32>} : memref<4x64xi32, #tpu.memory_space<vmem>>, vector<1x16xi32>,
      %get3A_306 = arith.constant 0 : i32
      %get3A_307 = arith.constant 1 : i32
      %get3A_308 = arith.index_cast %get3A_306 : i32 to index
      %get3A_309 = arith.index_cast %get3A_307 : i32 to index
      %get3A_310 = arith.constant 16 : index
      %get3A_311 = tpu.vector_load %arg5[%get3A_308, %get3A_309, %get3A_310] {strides = array<i32>} : memref<4x2x64xi32, #tpu.memory_space<vmem>>, vector<1x1x16xi32>,
      %get3A_312 = vector.shape_cast %get3A_311 : vector<1x1x16xi32> to vector<16xi32>
      %swap3A_313 = arith.constant 0 : i32
      %swap3A_314 = arith.index_cast %swap3A_313 : i32 to index
      %swap3A_315 = arith.constant 16 : index
      %swap3A_316 = tpu.vector_load %arg6[%swap3A_314, %swap3A_315] {strides = array<i32>} : memref<4x64xi32, #tpu.memory_space<vmem>>, vector<1x16xi32>,
      %swap3A_317 = vector.shape_cast %swap3A_316 : vector<1x16xi32> to vector<16xi32>
      %swap3A_318 = vector.shape_cast %get3A_312 : vector<16xi32> to vector<1x16xi32>
      tpu.vector_store %arg6[%swap3A_314, %swap3A_315], %swap3A_318 {strides = array<i32>} : memref<4x64xi32, #tpu.memory_space<vmem>>, vector<1x16xi32>,
      %get3A_319 = arith.constant 0 : i32
      %get3A_320 = arith.constant 1 : i32
      %get3A_321 = arith.index_cast %get3A_319 : i32 to index
      %get3A_322 = arith.index_cast %get3A_320 : i32 to index
      %get3A_323 = arith.constant 32 : index
      %get3A_324 = tpu.vector_load %arg5[%get3A_321, %get3A_322, %get3A_323] {strides = array<i32>} : memref<4x2x64xi32, #tpu.memory_space<vmem>>, vector<1x1x16xi32>,
      %get3A_325 = vector.shape_cast %get3A_324 : vector<1x1x16xi32> to vector<16xi32>
      %swap3A_326 = arith.constant 0 : i32
      %swap3A_327 = arith.index_cast %swap3A_326 : i32 to index
      %swap3A_328 = arith.constant 32 : index
      %swap3A_329 = tpu.vector_load %arg6[%swap3A_327, %swap3A_328] {strides = array<i32>} : memref<4x64xi32, #tpu.memory_space<vmem>>, vector<1x16xi32>,
      %swap3A_330 = vector.shape_cast %swap3A_329 : vector<1x16xi32> to vector<16xi32>
      %swap3A_331 = vector.shape_cast %get3A_325 : vector<16xi32> to vector<1x16xi32>
      tpu.vector_store %arg6[%swap3A_327, %swap3A_328], %swap3A_331 {strides = array<i32>} : memref<4x64xi32, #tpu.memory_space<vmem>>, vector<1x16xi32>,
      %get3A_332 = arith.constant 0 : i32
      %get3A_333 = arith.constant 1 : i32
      %get3A_334 = arith.index_cast %get3A_332 : i32 to index
      %get3A_335 = arith.index_cast %get3A_333 : i32 to index
      %get3A_336 = arith.constant 48 : index
      %get3A_337 = tpu.vector_load %arg5[%get3A_334, %get3A_335, %get3A_336] {strides = array<i32>} : memref<4x2x64xi32, #tpu.memory_space<vmem>>, vector<1x1x16xi32>,
      %get3A_338 = vector.shape_cast %get3A_337 : vector<1x1x16xi32> to vector<16xi32>
      %swap3A_339 = arith.constant 0 : i32
      %swap3A_340 = arith.index_cast %swap3A_339 : i32 to index
      %swap3A_341 = arith.constant 48 : index
      %swap3A_342 = tpu.vector_load %arg6[%swap3A_340, %swap3A_341] {strides = array<i32>} : memref<4x64xi32, #tpu.memory_space<vmem>>, vector<1x16xi32>,
      %swap3A_343 = vector.shape_cast %swap3A_342 : vector<1x16xi32> to vector<16xi32>
      %swap3A_344 = vector.shape_cast %get3A_338 : vector<16xi32> to vector<1x16xi32>
      tpu.vector_store %arg6[%swap3A_340, %swap3A_341], %swap3A_344 {strides = array<i32>} : memref<4x64xi32, #tpu.memory_space<vmem>>, vector<1x16xi32>,
      %dma_start3A_345 = arith.constant 0 : i32
      %dma_start3A_346 = arith.constant 0 : i32
      %dma_start3A_347 = arith.constant 0 : i32
      %dma_start3A_348 = arith.constant 0 : i32
      %dma_start3A_349 = tpu.memref_slice %arg7[%dma_start3A_345, %dma_start3A_347, %dma_start3A_348] : memref<4x64x144xf32, #tpu.memory_space<vmem>> -> memref<1x64x144xf32, #tpu.memory_space<vmem>>
      %dma_start3A_350 = tpu.memref_squeeze %dma_start3A_349 : memref<1x64x144xf32, #tpu.memory_space<vmem>> -> memref<64x144xf32, #tpu.memory_space<vmem>>
      %dma_start3A_351 = arith.constant 0 : i32
      %dma_start3A_352 = tpu.memref_slice %arg6[%dma_start3A_346, %dma_start3A_351] : memref<4x64xi32, #tpu.memory_space<vmem>> -> memref<1x64xi32, #tpu.memory_space<vmem>>
      %dma_start3A_353 = tpu.memref_squeeze %dma_start3A_352 : memref<1x64xi32, #tpu.memory_space<vmem>> -> memref<64xi32, #tpu.memory_space<vmem>>
      %dma_start3A_354 = arith.constant 0 : i32
      %dma_start3A_355 = arith.constant 0 : i32
      %dma_start3A_356 = tpu.memref_slice %arg9[%dma_start3A_354, %dma_start3A_355] : memref<10016x144xf32, #tpu.memory_space<vmem_shared>> -> memref<10016x144xf32, #tpu.memory_space<vmem_shared>>
      tpu.enqueue_indirect_dma source(%dma_start3A_350 : memref<64x144xf32, #tpu.memory_space<vmem>>) target(%dma_start3A_356 : memref<10016x144xf32, #tpu.memory_space<vmem_shared>>) offsets(%dma_start3A_353 : memref<64xi32, #tpu.memory_space<vmem>>) semaphore(%arg14 : memref<!tpu.dma_semaphore, #tpu.memory_space<semaphore_mem>>) {add = true}
      %add3A_357 = arith.constant 2 : i32
      %add3A_358 = arith.addi %add3A_280, %add3A_357 : i32
      %lt3A = arith.constant 160 : i32
      %lt3A_359 = arith.cmpi slt, %add3A_358, %lt3A : i32
      %convert_element_type3A = arith.extui %lt3A_359 : i1 to i32
      %cond3A = arith.constant 0 : i32
      %cond3A_360 = arith.cmpi ne, %convert_element_type3A, %cond3A : i32
      scf.if %cond3A_360 {
        %add3A_647 = arith.constant 2 : i32
        %add3A_648 = arith.addi %add3A_280, %add3A_647 : i32
        %dma_wait3A_649 = arith.constant 2 : i32
        %dma_wait3A_650 = arith.constant 0 : i32
        %dma_wait3A_651 = arith.constant 0 : i32
        %dma_wait3A_652 = tpu.memref_slice %arg5[%dma_wait3A_649, %dma_wait3A_650, %dma_wait3A_651] : memref<4x2x64xi32, #tpu.memory_space<vmem>> -> memref<1x2x64xi32, #tpu.memory_space<vmem>>
        %dma_wait3A_653 = tpu.memref_squeeze %dma_wait3A_652 : memref<1x2x64xi32, #tpu.memory_space<vmem>> -> memref<2x64xi32, #tpu.memory_space<vmem>>
        %dma_wait3A_654 = arith.constant 0 : i32
        %dma_wait3A_655 = arith.constant 0 : i32
        %dma_wait3A_656 = tpu.memref_slice %arg3[%arg0, %arg1, %add3A_648, %dma_wait3A_654, %dma_wait3A_655] : memref<2x16x160x2x64xi32, #tpu.memory_space<hbm>> -> memref<1x1x1x2x64xi32, #tpu.memory_space<hbm>>
        %dma_wait3A_657 = tpu.memref_squeeze %dma_wait3A_656 : memref<1x1x1x2x64xi32, #tpu.memory_space<hbm>> -> memref<2x64xi32, #tpu.memory_space<hbm>>
        %dma_wait3A_658 = arith.constant 0 : i32
        %dma_wait3A_659 = arith.constant 0 : i32
        %dma_wait3A_660 = tpu.memref_slice %arg5[%dma_wait3A_649, %dma_wait3A_658, %dma_wait3A_659] : memref<4x2x64xi32, #tpu.memory_space<vmem>> -> memref<1x2x64xi32, #tpu.memory_space<vmem>>
        %dma_wait3A_661 = tpu.memref_squeeze %dma_wait3A_660 : memref<1x2x64xi32, #tpu.memory_space<vmem>> -> memref<2x64xi32, #tpu.memory_space<vmem>>
        %dma_wait3A_662 = arith.constant 0 : i32
        %dma_wait3A_663 = arith.constant 0 : i32
        %dma_wait3A_664 = tpu.memref_slice %arg3[%arg0, %arg1, %add3A_648, %dma_wait3A_662, %dma_wait3A_663] : memref<2x16x160x2x64xi32, #tpu.memory_space<hbm>> -> memref<1x1x1x2x64xi32, #tpu.memory_space<hbm>>
        %dma_wait3A_665 = tpu.memref_squeeze %dma_wait3A_664 : memref<1x1x1x2x64xi32, #tpu.memory_space<hbm>> -> memref<2x64xi32, #tpu.memory_space<hbm>>
        tpu.wait_dma2 semaphore(%arg20 : memref<!tpu.dma_semaphore, #tpu.memory_space<semaphore_mem>>) src(%dma_wait3A_665 : memref<2x64xi32, #tpu.memory_space<hbm>>) dst(%dma_wait3A_661 : memref<2x64xi32, #tpu.memory_space<vmem>>)
        %dma_wait3A_666 = arith.constant 2 : i32
        %dma_wait3A_667 = arith.constant 0 : i32
        %dma_wait3A_668 = arith.constant 0 : i32
        %dma_wait3A_669 = arith.constant 0 : i32
        %dma_wait3A_670 = tpu.memref_slice %arg7[%dma_wait3A_666, %dma_wait3A_668, %dma_wait3A_669] : memref<4x64x144xf32, #tpu.memory_space<vmem>> -> memref<1x64x144xf32, #tpu.memory_space<vmem>>
        %dma_wait3A_671 = tpu.memref_squeeze %dma_wait3A_670 : memref<1x64x144xf32, #tpu.memory_space<vmem>> -> memref<64x144xf32, #tpu.memory_space<vmem>>
        %dma_wait3A_672 = arith.constant 0 : i32
        %dma_wait3A_673 = tpu.memref_slice %arg8[%dma_wait3A_667, %dma_wait3A_672] : memref<1x64xi32, #tpu.memory_space<vmem>> -> memref<1x64xi32, #tpu.memory_space<vmem>>
        %dma_wait3A_674 = tpu.memref_squeeze %dma_wait3A_673 : memref<1x64xi32, #tpu.memory_space<vmem>> -> memref<64xi32, #tpu.memory_space<vmem>>
        %dma_wait3A_675 = arith.constant 0 : i32
        %dma_wait3A_676 = arith.constant 0 : i32
        %dma_wait3A_677 = tpu.memref_slice %arg9[%dma_wait3A_675, %dma_wait3A_676] : memref<10016x144xf32, #tpu.memory_space<vmem_shared>> -> memref<10016x144xf32, #tpu.memory_space<vmem_shared>>
        tpu.wait_indirect_dma semaphore(%arg16 : memref<!tpu.dma_semaphore, #tpu.memory_space<semaphore_mem>>) src(%dma_wait3A_671 : memref<64x144xf32, #tpu.memory_space<vmem>>) dst(%dma_wait3A_677 : memref<10016x144xf32, #tpu.memory_space<vmem_shared>>)
        %dma_start3A_678 = arith.constant 2 : i32
        %dma_start3A_679 = arith.constant 0 : i32
        %dma_start3A_680 = arith.constant 2 : i32
        %dma_start3A_681 = arith.constant 0 : i32
        %dma_start3A_682 = arith.constant 0 : i32
        %dma_start3A_683 = tpu.memref_slice %arg7[%dma_start3A_680, %dma_start3A_681, %dma_start3A_682] : memref<4x64x144xf32, #tpu.memory_space<vmem>> -> memref<1x64x144xf32, #tpu.memory_space<vmem>>
        %dma_start3A_684 = tpu.memref_squeeze %dma_start3A_683 : memref<1x64x144xf32, #tpu.memory_space<vmem>> -> memref<64x144xf32, #tpu.memory_space<vmem>>
        %dma_start3A_685 = arith.constant 0 : i32
        %dma_start3A_686 = tpu.memref_slice %arg5[%dma_start3A_678, %dma_start3A_679, %dma_start3A_685] : memref<4x2x64xi32, #tpu.memory_space<vmem>> -> memref<1x1x64xi32, #tpu.memory_space<vmem>>
        %dma_start3A_687 = tpu.memref_squeeze %dma_start3A_686 : memref<1x1x64xi32, #tpu.memory_space<vmem>> -> memref<64xi32, #tpu.memory_space<vmem>>
        %dma_start3A_688 = arith.constant 0 : i32
        %dma_start3A_689 = arith.constant 0 : i32
        %dma_start3A_690 = tpu.memref_slice %arg2[%dma_start3A_688, %dma_start3A_689] : memref<20000x144xf32, #tpu.memory_space<hbm>> -> memref<20000x144xf32, #tpu.memory_space<hbm>>
        tpu.enqueue_indirect_dma source(%dma_start3A_690 : memref<20000x144xf32, #tpu.memory_space<hbm>>) target(%dma_start3A_684 : memref<64x144xf32, #tpu.memory_space<vmem>>) offsets(%dma_start3A_687 : memref<64xi32, #tpu.memory_space<vmem>>) semaphore(%arg12 : memref<!tpu.dma_semaphore, #tpu.memory_space<semaphore_mem>>)
      } else {
      }
      %add3A_361 = arith.constant 4 : i32
      %add3A_362 = arith.addi %add3A_280, %add3A_361 : i32
      %lt3A_363 = arith.constant 160 : i32
      %lt3A_364 = arith.cmpi slt, %add3A_362, %lt3A_363 : i32
      %convert_element_type3A_365 = arith.extui %lt3A_364 : i1 to i32
      %cond3A_366 = arith.constant 0 : i32
      %cond3A_367 = arith.cmpi ne, %convert_element_type3A_365, %cond3A_366 : i32
      scf.if %cond3A_367 {
        %add3A_647 = arith.constant 4 : i32
        %add3A_648 = arith.addi %add3A_280, %add3A_647 : i32
        %dma_start3A_649 = arith.constant 0 : i32
        %dma_start3A_650 = arith.constant 0 : i32
        %dma_start3A_651 = arith.constant 0 : i32
        %dma_start3A_652 = tpu.memref_slice %arg5[%dma_start3A_649, %dma_start3A_650, %dma_start3A_651] : memref<4x2x64xi32, #tpu.memory_space<vmem>> -> memref<1x2x64xi32, #tpu.memory_space<vmem>>
        %dma_start3A_653 = tpu.memref_squeeze %dma_start3A_652 : memref<1x2x64xi32, #tpu.memory_space<vmem>> -> memref<2x64xi32, #tpu.memory_space<vmem>>
        %dma_start3A_654 = arith.constant 0 : i32
        %dma_start3A_655 = arith.constant 0 : i32
        %dma_start3A_656 = tpu.memref_slice %arg3[%arg0, %arg1, %add3A_648, %dma_start3A_654, %dma_start3A_655] : memref<2x16x160x2x64xi32, #tpu.memory_space<hbm>> -> memref<1x1x1x2x64xi32, #tpu.memory_space<hbm>>
        %dma_start3A_657 = tpu.memref_squeeze %dma_start3A_656 : memref<1x1x1x2x64xi32, #tpu.memory_space<hbm>> -> memref<2x64xi32, #tpu.memory_space<hbm>>
        %dma_start3A_658 = arith.constant 0 : i32
        %dma_start3A_659 = arith.constant 0 : i32
        %dma_start3A_660 = tpu.memref_slice %arg5[%dma_start3A_649, %dma_start3A_658, %dma_start3A_659] : memref<4x2x64xi32, #tpu.memory_space<vmem>> -> memref<1x2x64xi32, #tpu.memory_space<vmem>>
        %dma_start3A_661 = tpu.memref_squeeze %dma_start3A_660 : memref<1x2x64xi32, #tpu.memory_space<vmem>> -> memref<2x64xi32, #tpu.memory_space<vmem>>
        %dma_start3A_662 = arith.constant 0 : i32
        %dma_start3A_663 = arith.constant 0 : i32
        %dma_start3A_664 = tpu.memref_slice %arg3[%arg0, %arg1, %add3A_648, %dma_start3A_662, %dma_start3A_663] : memref<2x16x160x2x64xi32, #tpu.memory_space<hbm>> -> memref<1x1x1x2x64xi32, #tpu.memory_space<hbm>>
        %dma_start3A_665 = tpu.memref_squeeze %dma_start3A_664 : memref<1x1x1x2x64xi32, #tpu.memory_space<hbm>> -> memref<2x64xi32, #tpu.memory_space<hbm>>
        tpu.enqueue_dma source(%dma_start3A_665 : memref<2x64xi32, #tpu.memory_space<hbm>>) target(%dma_start3A_661 : memref<2x64xi32, #tpu.memory_space<vmem>>) target_semaphore(%arg18 : memref<!tpu.dma_semaphore, #tpu.memory_space<semaphore_mem>>)
      } else {
      }
      %add3A_368 = arith.constant 1 : i32
      %add3A_369 = arith.addi %mul3A_278, %add3A_368 : i32
      %dma_wait3A_370 = arith.constant 1 : i32
      %dma_wait3A_371 = arith.constant 0 : i32
      %dma_wait3A_372 = arith.constant 1 : i32
      %dma_wait3A_373 = arith.constant 0 : i32
      %dma_wait3A_374 = arith.constant 0 : i32
      %dma_wait3A_375 = tpu.memref_slice %arg7[%dma_wait3A_372, %dma_wait3A_373, %dma_wait3A_374] : memref<4x64x144xf32, #tpu.memory_space<vmem>> -> memref<1x64x144xf32, #tpu.memory_space<vmem>>
      %dma_wait3A_376 = tpu.memref_squeeze %dma_wait3A_375 : memref<1x64x144xf32, #tpu.memory_space<vmem>> -> memref<64x144xf32, #tpu.memory_space<vmem>>
      %dma_wait3A_377 = arith.constant 0 : i32
      %dma_wait3A_378 = tpu.memref_slice %arg5[%dma_wait3A_370, %dma_wait3A_371, %dma_wait3A_377] : memref<4x2x64xi32, #tpu.memory_space<vmem>> -> memref<1x1x64xi32, #tpu.memory_space<vmem>>
      %dma_wait3A_379 = tpu.memref_squeeze %dma_wait3A_378 : memref<1x1x64xi32, #tpu.memory_space<vmem>> -> memref<64xi32, #tpu.memory_space<vmem>>
      %dma_wait3A_380 = arith.constant 0 : i32
      %dma_wait3A_381 = arith.constant 0 : i32
      %dma_wait3A_382 = tpu.memref_slice %arg2[%dma_wait3A_380, %dma_wait3A_381] : memref<20000x144xf32, #tpu.memory_space<hbm>> -> memref<20000x144xf32, #tpu.memory_space<hbm>>
      tpu.wait_indirect_dma semaphore(%arg11 : memref<!tpu.dma_semaphore, #tpu.memory_space<semaphore_mem>>) src(%dma_wait3A_382 : memref<20000x144xf32, #tpu.memory_space<hbm>>) dst(%dma_wait3A_376 : memref<64x144xf32, #tpu.memory_space<vmem>>)
      %get3A_383 = arith.constant 1 : i32
      %get3A_384 = arith.constant 1 : i32
      %get3A_385 = arith.index_cast %get3A_383 : i32 to index
      %get3A_386 = arith.index_cast %get3A_384 : i32 to index
      %get3A_387 = arith.constant 0 : index
      %get3A_388 = tpu.vector_load %arg5[%get3A_385, %get3A_386, %get3A_387] {strides = array<i32>} : memref<4x2x64xi32, #tpu.memory_space<vmem>>, vector<1x1x16xi32>,
      %get3A_389 = vector.shape_cast %get3A_388 : vector<1x1x16xi32> to vector<16xi32>
      %swap3A_390 = arith.constant 1 : i32
      %swap3A_391 = arith.index_cast %swap3A_390 : i32 to index
      %swap3A_392 = arith.constant 0 : index
      %swap3A_393 = tpu.vector_load %arg6[%swap3A_391, %swap3A_392] {strides = array<i32>} : memref<4x64xi32, #tpu.memory_space<vmem>>, vector<1x16xi32>,
      %swap3A_394 = vector.shape_cast %swap3A_393 : vector<1x16xi32> to vector<16xi32>
      %swap3A_395 = vector.shape_cast %get3A_389 : vector<16xi32> to vector<1x16xi32>
      tpu.vector_store %arg6[%swap3A_391, %swap3A_392], %swap3A_395 {strides = array<i32>} : memref<4x64xi32, #tpu.memory_space<vmem>>, vector<1x16xi32>,
      %get3A_396 = arith.constant 1 : i32
      %get3A_397 = arith.constant 1 : i32
      %get3A_398 = arith.index_cast %get3A_396 : i32 to index
      %get3A_399 = arith.index_cast %get3A_397 : i32 to index
      %get3A_400 = arith.constant 16 : index
      %get3A_401 = tpu.vector_load %arg5[%get3A_398, %get3A_399, %get3A_400] {strides = array<i32>} : memref<4x2x64xi32, #tpu.memory_space<vmem>>, vector<1x1x16xi32>,
      %get3A_402 = vector.shape_cast %get3A_401 : vector<1x1x16xi32> to vector<16xi32>
      %swap3A_403 = arith.constant 1 : i32
      %swap3A_404 = arith.index_cast %swap3A_403 : i32 to index
      %swap3A_405 = arith.constant 16 : index
      %swap3A_406 = tpu.vector_load %arg6[%swap3A_404, %swap3A_405] {strides = array<i32>} : memref<4x64xi32, #tpu.memory_space<vmem>>, vector<1x16xi32>,
      %swap3A_407 = vector.shape_cast %swap3A_406 : vector<1x16xi32> to vector<16xi32>
      %swap3A_408 = vector.shape_cast %get3A_402 : vector<16xi32> to vector<1x16xi32>
      tpu.vector_store %arg6[%swap3A_404, %swap3A_405], %swap3A_408 {strides = array<i32>} : memref<4x64xi32, #tpu.memory_space<vmem>>, vector<1x16xi32>,
      %get3A_409 = arith.constant 1 : i32
      %get3A_410 = arith.constant 1 : i32
      %get3A_411 = arith.index_cast %get3A_409 : i32 to index
      %get3A_412 = arith.index_cast %get3A_410 : i32 to index
      %get3A_413 = arith.constant 32 : index
      %get3A_414 = tpu.vector_load %arg5[%get3A_411, %get3A_412, %get3A_413] {strides = array<i32>} : memref<4x2x64xi32, #tpu.memory_space<vmem>>, vector<1x1x16xi32>,
      %get3A_415 = vector.shape_cast %get3A_414 : vector<1x1x16xi32> to vector<16xi32>
      %swap3A_416 = arith.constant 1 : i32
      %swap3A_417 = arith.index_cast %swap3A_416 : i32 to index
      %swap3A_418 = arith.constant 32 : index
      %swap3A_419 = tpu.vector_load %arg6[%swap3A_417, %swap3A_418] {strides = array<i32>} : memref<4x64xi32, #tpu.memory_space<vmem>>, vector<1x16xi32>,
      %swap3A_420 = vector.shape_cast %swap3A_419 : vector<1x16xi32> to vector<16xi32>
      %swap3A_421 = vector.shape_cast %get3A_415 : vector<16xi32> to vector<1x16xi32>
      tpu.vector_store %arg6[%swap3A_417, %swap3A_418], %swap3A_421 {strides = array<i32>} : memref<4x64xi32, #tpu.memory_space<vmem>>, vector<1x16xi32>,
      %get3A_422 = arith.constant 1 : i32
      %get3A_423 = arith.constant 1 : i32
      %get3A_424 = arith.index_cast %get3A_422 : i32 to index
      %get3A_425 = arith.index_cast %get3A_423 : i32 to index
      %get3A_426 = arith.constant 48 : index
      %get3A_427 = tpu.vector_load %arg5[%get3A_424, %get3A_425, %get3A_426] {strides = array<i32>} : memref<4x2x64xi32, #tpu.memory_space<vmem>>, vector<1x1x16xi32>,
      %get3A_428 = vector.shape_cast %get3A_427 : vector<1x1x16xi32> to vector<16xi32>
      %swap3A_429 = arith.constant 1 : i32
      %swap3A_430 = arith.index_cast %swap3A_429 : i32 to index
      %swap3A_431 = arith.constant 48 : index
      %swap3A_432 = tpu.vector_load %arg6[%swap3A_430, %swap3A_431] {strides = array<i32>} : memref<4x64xi32, #tpu.memory_space<vmem>>, vector<1x16xi32>,
      %swap3A_433 = vector.shape_cast %swap3A_432 : vector<1x16xi32> to vector<16xi32>
      %swap3A_434 = vector.shape_cast %get3A_428 : vector<16xi32> to vector<1x16xi32>
      tpu.vector_store %arg6[%swap3A_430, %swap3A_431], %swap3A_434 {strides = array<i32>} : memref<4x64xi32, #tpu.memory_space<vmem>>, vector<1x16xi32>,
      %dma_start3A_435 = arith.constant 1 : i32
      %dma_start3A_436 = arith.constant 1 : i32
      %dma_start3A_437 = arith.constant 0 : i32
      %dma_start3A_438 = arith.constant 0 : i32
      %dma_start3A_439 = tpu.memref_slice %arg7[%dma_start3A_435, %dma_start3A_437, %dma_start3A_438] : memref<4x64x144xf32, #tpu.memory_space<vmem>> -> memref<1x64x144xf32, #tpu.memory_space<vmem>>
      %dma_start3A_440 = tpu.memref_squeeze %dma_start3A_439 : memref<1x64x144xf32, #tpu.memory_space<vmem>> -> memref<64x144xf32, #tpu.memory_space<vmem>>
      %dma_start3A_441 = arith.constant 0 : i32
      %dma_start3A_442 = tpu.memref_slice %arg6[%dma_start3A_436, %dma_start3A_441] : memref<4x64xi32, #tpu.memory_space<vmem>> -> memref<1x64xi32, #tpu.memory_space<vmem>>
      %dma_start3A_443 = tpu.memref_squeeze %dma_start3A_442 : memref<1x64xi32, #tpu.memory_space<vmem>> -> memref<64xi32, #tpu.memory_space<vmem>>
      %dma_start3A_444 = arith.constant 0 : i32
      %dma_start3A_445 = arith.constant 0 : i32
      %dma_start3A_446 = tpu.memref_slice %arg9[%dma_start3A_444, %dma_start3A_445] : memref<10016x144xf32, #tpu.memory_space<vmem_shared>> -> memref<10016x144xf32, #tpu.memory_space<vmem_shared>>
      tpu.enqueue_indirect_dma source(%dma_start3A_440 : memref<64x144xf32, #tpu.memory_space<vmem>>) target(%dma_start3A_446 : memref<10016x144xf32, #tpu.memory_space<vmem_shared>>) offsets(%dma_start3A_443 : memref<64xi32, #tpu.memory_space<vmem>>) semaphore(%arg15 : memref<!tpu.dma_semaphore, #tpu.memory_space<semaphore_mem>>) {add = true}
      %add3A_447 = arith.constant 2 : i32
      %add3A_448 = arith.addi %add3A_369, %add3A_447 : i32
      %lt3A_449 = arith.constant 160 : i32
      %lt3A_450 = arith.cmpi slt, %add3A_448, %lt3A_449 : i32
      %convert_element_type3A_451 = arith.extui %lt3A_450 : i1 to i32
      %cond3A_452 = arith.constant 0 : i32
      %cond3A_453 = arith.cmpi ne, %convert_element_type3A_451, %cond3A_452 : i32
      scf.if %cond3A_453 {
        %add3A_647 = arith.constant 2 : i32
        %add3A_648 = arith.addi %add3A_369, %add3A_647 : i32
        %dma_wait3A_649 = arith.constant 3 : i32
        %dma_wait3A_650 = arith.constant 0 : i32
        %dma_wait3A_651 = arith.constant 0 : i32
        %dma_wait3A_652 = tpu.memref_slice %arg5[%dma_wait3A_649, %dma_wait3A_650, %dma_wait3A_651] : memref<4x2x64xi32, #tpu.memory_space<vmem>> -> memref<1x2x64xi32, #tpu.memory_space<vmem>>
        %dma_wait3A_653 = tpu.memref_squeeze %dma_wait3A_652 : memref<1x2x64xi32, #tpu.memory_space<vmem>> -> memref<2x64xi32, #tpu.memory_space<vmem>>
        %dma_wait3A_654 = arith.constant 0 : i32
        %dma_wait3A_655 = arith.constant 0 : i32
        %dma_wait3A_656 = tpu.memref_slice %arg3[%arg0, %arg1, %add3A_648, %dma_wait3A_654, %dma_wait3A_655] : memref<2x16x160x2x64xi32, #tpu.memory_space<hbm>> -> memref<1x1x1x2x64xi32, #tpu.memory_space<hbm>>
        %dma_wait3A_657 = tpu.memref_squeeze %dma_wait3A_656 : memref<1x1x1x2x64xi32, #tpu.memory_space<hbm>> -> memref<2x64xi32, #tpu.memory_space<hbm>>
        %dma_wait3A_658 = arith.constant 0 : i32
        %dma_wait3A_659 = arith.constant 0 : i32
        %dma_wait3A_660 = tpu.memref_slice %arg5[%dma_wait3A_649, %dma_wait3A_658, %dma_wait3A_659] : memref<4x2x64xi32, #tpu.memory_space<vmem>> -> memref<1x2x64xi32, #tpu.memory_space<vmem>>
        %dma_wait3A_661 = tpu.memref_squeeze %dma_wait3A_660 : memref<1x2x64xi32, #tpu.memory_space<vmem>> -> memref<2x64xi32, #tpu.memory_space<vmem>>
        %dma_wait3A_662 = arith.constant 0 : i32
        %dma_wait3A_663 = arith.constant 0 : i32
        %dma_wait3A_664 = tpu.memref_slice %arg3[%arg0, %arg1, %add3A_648, %dma_wait3A_662, %dma_wait3A_663] : memref<2x16x160x2x64xi32, #tpu.memory_space<hbm>> -> memref<1x1x1x2x64xi32, #tpu.memory_space<hbm>>
        %dma_wait3A_665 = tpu.memref_squeeze %dma_wait3A_664 : memref<1x1x1x2x64xi32, #tpu.memory_space<hbm>> -> memref<2x64xi32, #tpu.memory_space<hbm>>
        tpu.wait_dma2 semaphore(%arg21 : memref<!tpu.dma_semaphore, #tpu.memory_space<semaphore_mem>>) src(%dma_wait3A_665 : memref<2x64xi32, #tpu.memory_space<hbm>>) dst(%dma_wait3A_661 : memref<2x64xi32, #tpu.memory_space<vmem>>)
        %dma_wait3A_666 = arith.constant 3 : i32
        %dma_wait3A_667 = arith.constant 0 : i32
        %dma_wait3A_668 = arith.constant 0 : i32
        %dma_wait3A_669 = arith.constant 0 : i32
        %dma_wait3A_670 = tpu.memref_slice %arg7[%dma_wait3A_666, %dma_wait3A_668, %dma_wait3A_669] : memref<4x64x144xf32, #tpu.memory_space<vmem>> -> memref<1x64x144xf32, #tpu.memory_space<vmem>>
        %dma_wait3A_671 = tpu.memref_squeeze %dma_wait3A_670 : memref<1x64x144xf32, #tpu.memory_space<vmem>> -> memref<64x144xf32, #tpu.memory_space<vmem>>
        %dma_wait3A_672 = arith.constant 0 : i32
        %dma_wait3A_673 = tpu.memref_slice %arg8[%dma_wait3A_667, %dma_wait3A_672] : memref<1x64xi32, #tpu.memory_space<vmem>> -> memref<1x64xi32, #tpu.memory_space<vmem>>
        %dma_wait3A_674 = tpu.memref_squeeze %dma_wait3A_673 : memref<1x64xi32, #tpu.memory_space<vmem>> -> memref<64xi32, #tpu.memory_space<vmem>>
        %dma_wait3A_675 = arith.constant 0 : i32
        %dma_wait3A_676 = arith.constant 0 : i32
        %dma_wait3A_677 = tpu.memref_slice %arg9[%dma_wait3A_675, %dma_wait3A_676] : memref<10016x144xf32, #tpu.memory_space<vmem_shared>> -> memref<10016x144xf32, #tpu.memory_space<vmem_shared>>
        tpu.wait_indirect_dma semaphore(%arg17 : memref<!tpu.dma_semaphore, #tpu.memory_space<semaphore_mem>>) src(%dma_wait3A_671 : memref<64x144xf32, #tpu.memory_space<vmem>>) dst(%dma_wait3A_677 : memref<10016x144xf32, #tpu.memory_space<vmem_shared>>)
        %dma_start3A_678 = arith.constant 3 : i32
        %dma_start3A_679 = arith.constant 0 : i32
        %dma_start3A_680 = arith.constant 3 : i32
        %dma_start3A_681 = arith.constant 0 : i32
        %dma_start3A_682 = arith.constant 0 : i32
        %dma_start3A_683 = tpu.memref_slice %arg7[%dma_start3A_680, %dma_start3A_681, %dma_start3A_682] : memref<4x64x144xf32, #tpu.memory_space<vmem>> -> memref<1x64x144xf32, #tpu.memory_space<vmem>>
        %dma_start3A_684 = tpu.memref_squeeze %dma_start3A_683 : memref<1x64x144xf32, #tpu.memory_space<vmem>> -> memref<64x144xf32, #tpu.memory_space<vmem>>
        %dma_start3A_685 = arith.constant 0 : i32
        %dma_start3A_686 = tpu.memref_slice %arg5[%dma_start3A_678, %dma_start3A_679, %dma_start3A_685] : memref<4x2x64xi32, #tpu.memory_space<vmem>> -> memref<1x1x64xi32, #tpu.memory_space<vmem>>
        %dma_start3A_687 = tpu.memref_squeeze %dma_start3A_686 : memref<1x1x64xi32, #tpu.memory_space<vmem>> -> memref<64xi32, #tpu.memory_space<vmem>>
        %dma_start3A_688 = arith.constant 0 : i32
        %dma_start3A_689 = arith.constant 0 : i32
        %dma_start3A_690 = tpu.memref_slice %arg2[%dma_start3A_688, %dma_start3A_689] : memref<20000x144xf32, #tpu.memory_space<hbm>> -> memref<20000x144xf32, #tpu.memory_space<hbm>>
        tpu.enqueue_indirect_dma source(%dma_start3A_690 : memref<20000x144xf32, #tpu.memory_space<hbm>>) target(%dma_start3A_684 : memref<64x144xf32, #tpu.memory_space<vmem>>) offsets(%dma_start3A_687 : memref<64xi32, #tpu.memory_space<vmem>>) semaphore(%arg13 : memref<!tpu.dma_semaphore, #tpu.memory_space<semaphore_mem>>)
      } else {
      }
      %add3A_454 = arith.constant 4 : i32
      %add3A_455 = arith.addi %add3A_369, %add3A_454 : i32
      %lt3A_456 = arith.constant 160 : i32
      %lt3A_457 = arith.cmpi slt, %add3A_455, %lt3A_456 : i32
      %convert_element_type3A_458 = arith.extui %lt3A_457 : i1 to i32
      %cond3A_459 = arith.constant 0 : i32
      %cond3A_460 = arith.cmpi ne, %convert_element_type3A_458, %cond3A_459 : i32
      scf.if %cond3A_460 {
        %add3A_647 = arith.constant 4 : i32
        %add3A_648 = arith.addi %add3A_369, %add3A_647 : i32
        %dma_start3A_649 = arith.constant 1 : i32
        %dma_start3A_650 = arith.constant 0 : i32
        %dma_start3A_651 = arith.constant 0 : i32
        %dma_start3A_652 = tpu.memref_slice %arg5[%dma_start3A_649, %dma_start3A_650, %dma_start3A_651] : memref<4x2x64xi32, #tpu.memory_space<vmem>> -> memref<1x2x64xi32, #tpu.memory_space<vmem>>
        %dma_start3A_653 = tpu.memref_squeeze %dma_start3A_652 : memref<1x2x64xi32, #tpu.memory_space<vmem>> -> memref<2x64xi32, #tpu.memory_space<vmem>>
        %dma_start3A_654 = arith.constant 0 : i32
        %dma_start3A_655 = arith.constant 0 : i32
        %dma_start3A_656 = tpu.memref_slice %arg3[%arg0, %arg1, %add3A_648, %dma_start3A_654, %dma_start3A_655] : memref<2x16x160x2x64xi32, #tpu.memory_space<hbm>> -> memref<1x1x1x2x64xi32, #tpu.memory_space<hbm>>
        %dma_start3A_657 = tpu.memref_squeeze %dma_start3A_656 : memref<1x1x1x2x64xi32, #tpu.memory_space<hbm>> -> memref<2x64xi32, #tpu.memory_space<hbm>>
        %dma_start3A_658 = arith.constant 0 : i32
        %dma_start3A_659 = arith.constant 0 : i32
        %dma_start3A_660 = tpu.memref_slice %arg5[%dma_start3A_649, %dma_start3A_658, %dma_start3A_659] : memref<4x2x64xi32, #tpu.memory_space<vmem>> -> memref<1x2x64xi32, #tpu.memory_space<vmem>>
        %dma_start3A_661 = tpu.memref_squeeze %dma_start3A_660 : memref<1x2x64xi32, #tpu.memory_space<vmem>> -> memref<2x64xi32, #tpu.memory_space<vmem>>
        %dma_start3A_662 = arith.constant 0 : i32
        %dma_start3A_663 = arith.constant 0 : i32
        %dma_start3A_664 = tpu.memref_slice %arg3[%arg0, %arg1, %add3A_648, %dma_start3A_662, %dma_start3A_663] : memref<2x16x160x2x64xi32, #tpu.memory_space<hbm>> -> memref<1x1x1x2x64xi32, #tpu.memory_space<hbm>>
        %dma_start3A_665 = tpu.memref_squeeze %dma_start3A_664 : memref<1x1x1x2x64xi32, #tpu.memory_space<hbm>> -> memref<2x64xi32, #tpu.memory_space<hbm>>
        tpu.enqueue_dma source(%dma_start3A_665 : memref<2x64xi32, #tpu.memory_space<hbm>>) target(%dma_start3A_661 : memref<2x64xi32, #tpu.memory_space<vmem>>) target_semaphore(%arg19 : memref<!tpu.dma_semaphore, #tpu.memory_space<semaphore_mem>>)
      } else {
      }
      %add3A_461 = arith.constant 2 : i32
      %add3A_462 = arith.addi %mul3A_278, %add3A_461 : i32
      %dma_wait3A_463 = arith.constant 2 : i32
      %dma_wait3A_464 = arith.constant 0 : i32
      %dma_wait3A_465 = arith.constant 2 : i32
      %dma_wait3A_466 = arith.constant 0 : i32
      %dma_wait3A_467 = arith.constant 0 : i32
      %dma_wait3A_468 = tpu.memref_slice %arg7[%dma_wait3A_465, %dma_wait3A_466, %dma_wait3A_467] : memref<4x64x144xf32, #tpu.memory_space<vmem>> -> memref<1x64x144xf32, #tpu.memory_space<vmem>>
      %dma_wait3A_469 = tpu.memref_squeeze %dma_wait3A_468 : memref<1x64x144xf32, #tpu.memory_space<vmem>> -> memref<64x144xf32, #tpu.memory_space<vmem>>
      %dma_wait3A_470 = arith.constant 0 : i32
      %dma_wait3A_471 = tpu.memref_slice %arg5[%dma_wait3A_463, %dma_wait3A_464, %dma_wait3A_470] : memref<4x2x64xi32, #tpu.memory_space<vmem>> -> memref<1x1x64xi32, #tpu.memory_space<vmem>>
      %dma_wait3A_472 = tpu.memref_squeeze %dma_wait3A_471 : memref<1x1x64xi32, #tpu.memory_space<vmem>> -> memref<64xi32, #tpu.memory_space<vmem>>
      %dma_wait3A_473 = arith.constant 0 : i32
      %dma_wait3A_474 = arith.constant 0 : i32
      %dma_wait3A_475 = tpu.memref_slice %arg2[%dma_wait3A_473, %dma_wait3A_474] : memref<20000x144xf32, #tpu.memory_space<hbm>> -> memref<20000x144xf32, #tpu.memory_space<hbm>>
      tpu.wait_indirect_dma semaphore(%arg12 : memref<!tpu.dma_semaphore, #tpu.memory_space<semaphore_mem>>) src(%dma_wait3A_475 : memref<20000x144xf32, #tpu.memory_space<hbm>>) dst(%dma_wait3A_469 : memref<64x144xf32, #tpu.memory_space<vmem>>)
      %get3A_476 = arith.constant 2 : i32
      %get3A_477 = arith.constant 1 : i32
      %get3A_478 = arith.index_cast %get3A_476 : i32 to index
      %get3A_479 = arith.index_cast %get3A_477 : i32 to index
      %get3A_480 = arith.constant 0 : index
      %get3A_481 = tpu.vector_load %arg5[%get3A_478, %get3A_479, %get3A_480] {strides = array<i32>} : memref<4x2x64xi32, #tpu.memory_space<vmem>>, vector<1x1x16xi32>,
      %get3A_482 = vector.shape_cast %get3A_481 : vector<1x1x16xi32> to vector<16xi32>
      %swap3A_483 = arith.constant 2 : i32
      %swap3A_484 = arith.index_cast %swap3A_483 : i32 to index
      %swap3A_485 = arith.constant 0 : index
      %swap3A_486 = tpu.vector_load %arg6[%swap3A_484, %swap3A_485] {strides = array<i32>} : memref<4x64xi32, #tpu.memory_space<vmem>>, vector<1x16xi32>,
      %swap3A_487 = vector.shape_cast %swap3A_486 : vector<1x16xi32> to vector<16xi32>
      %swap3A_488 = vector.shape_cast %get3A_482 : vector<16xi32> to vector<1x16xi32>
      tpu.vector_store %arg6[%swap3A_484, %swap3A_485], %swap3A_488 {strides = array<i32>} : memref<4x64xi32, #tpu.memory_space<vmem>>, vector<1x16xi32>,
      %get3A_489 = arith.constant 2 : i32
      %get3A_490 = arith.constant 1 : i32
      %get3A_491 = arith.index_cast %get3A_489 : i32 to index
      %get3A_492 = arith.index_cast %get3A_490 : i32 to index
      %get3A_493 = arith.constant 16 : index
      %get3A_494 = tpu.vector_load %arg5[%get3A_491, %get3A_492, %get3A_493] {strides = array<i32>} : memref<4x2x64xi32, #tpu.memory_space<vmem>>, vector<1x1x16xi32>,
      %get3A_495 = vector.shape_cast %get3A_494 : vector<1x1x16xi32> to vector<16xi32>
      %swap3A_496 = arith.constant 2 : i32
      %swap3A_497 = arith.index_cast %swap3A_496 : i32 to index
      %swap3A_498 = arith.constant 16 : index
      %swap3A_499 = tpu.vector_load %arg6[%swap3A_497, %swap3A_498] {strides = array<i32>} : memref<4x64xi32, #tpu.memory_space<vmem>>, vector<1x16xi32>,
      %swap3A_500 = vector.shape_cast %swap3A_499 : vector<1x16xi32> to vector<16xi32>
      %swap3A_501 = vector.shape_cast %get3A_495 : vector<16xi32> to vector<1x16xi32>
      tpu.vector_store %arg6[%swap3A_497, %swap3A_498], %swap3A_501 {strides = array<i32>} : memref<4x64xi32, #tpu.memory_space<vmem>>, vector<1x16xi32>,
      %get3A_502 = arith.constant 2 : i32
      %get3A_503 = arith.constant 1 : i32
      %get3A_504 = arith.index_cast %get3A_502 : i32 to index
      %get3A_505 = arith.index_cast %get3A_503 : i32 to index
      %get3A_506 = arith.constant 32 : index
      %get3A_507 = tpu.vector_load %arg5[%get3A_504, %get3A_505, %get3A_506] {strides = array<i32>} : memref<4x2x64xi32, #tpu.memory_space<vmem>>, vector<1x1x16xi32>,
      %get3A_508 = vector.shape_cast %get3A_507 : vector<1x1x16xi32> to vector<16xi32>
      %swap3A_509 = arith.constant 2 : i32
      %swap3A_510 = arith.index_cast %swap3A_509 : i32 to index
      %swap3A_511 = arith.constant 32 : index
      %swap3A_512 = tpu.vector_load %arg6[%swap3A_510, %swap3A_511] {strides = array<i32>} : memref<4x64xi32, #tpu.memory_space<vmem>>, vector<1x16xi32>,
      %swap3A_513 = vector.shape_cast %swap3A_512 : vector<1x16xi32> to vector<16xi32>
      %swap3A_514 = vector.shape_cast %get3A_508 : vector<16xi32> to vector<1x16xi32>
      tpu.vector_store %arg6[%swap3A_510, %swap3A_511], %swap3A_514 {strides = array<i32>} : memref<4x64xi32, #tpu.memory_space<vmem>>, vector<1x16xi32>,
      %get3A_515 = arith.constant 2 : i32
      %get3A_516 = arith.constant 1 : i32
      %get3A_517 = arith.index_cast %get3A_515 : i32 to index
      %get3A_518 = arith.index_cast %get3A_516 : i32 to index
      %get3A_519 = arith.constant 48 : index
      %get3A_520 = tpu.vector_load %arg5[%get3A_517, %get3A_518, %get3A_519] {strides = array<i32>} : memref<4x2x64xi32, #tpu.memory_space<vmem>>, vector<1x1x16xi32>,
      %get3A_521 = vector.shape_cast %get3A_520 : vector<1x1x16xi32> to vector<16xi32>
      %swap3A_522 = arith.constant 2 : i32
      %swap3A_523 = arith.index_cast %swap3A_522 : i32 to index
      %swap3A_524 = arith.constant 48 : index
      %swap3A_525 = tpu.vector_load %arg6[%swap3A_523, %swap3A_524] {strides = array<i32>} : memref<4x64xi32, #tpu.memory_space<vmem>>, vector<1x16xi32>,
      %swap3A_526 = vector.shape_cast %swap3A_525 : vector<1x16xi32> to vector<16xi32>
      %swap3A_527 = vector.shape_cast %get3A_521 : vector<16xi32> to vector<1x16xi32>
      tpu.vector_store %arg6[%swap3A_523, %swap3A_524], %swap3A_527 {strides = array<i32>} : memref<4x64xi32, #tpu.memory_space<vmem>>, vector<1x16xi32>,
      %dma_start3A_528 = arith.constant 2 : i32
      %dma_start3A_529 = arith.constant 2 : i32
      %dma_start3A_530 = arith.constant 0 : i32
      %dma_start3A_531 = arith.constant 0 : i32
      %dma_start3A_532 = tpu.memref_slice %arg7[%dma_start3A_528, %dma_start3A_530, %dma_start3A_531] : memref<4x64x144xf32, #tpu.memory_space<vmem>> -> memref<1x64x144xf32, #tpu.memory_space<vmem>>
      %dma_start3A_533 = tpu.memref_squeeze %dma_start3A_532 : memref<1x64x144xf32, #tpu.memory_space<vmem>> -> memref<64x144xf32, #tpu.memory_space<vmem>>
      %dma_start3A_534 = arith.constant 0 : i32
      %dma_start3A_535 = tpu.memref_slice %arg6[%dma_start3A_529, %dma_start3A_534] : memref<4x64xi32, #tpu.memory_space<vmem>> -> memref<1x64xi32, #tpu.memory_space<vmem>>
      %dma_start3A_536 = tpu.memref_squeeze %dma_start3A_535 : memref<1x64xi32, #tpu.memory_space<vmem>> -> memref<64xi32, #tpu.memory_space<vmem>>
      %dma_start3A_537 = arith.constant 0 : i32
      %dma_start3A_538 = arith.constant 0 : i32
      %dma_start3A_539 = tpu.memref_slice %arg9[%dma_start3A_537, %dma_start3A_538] : memref<10016x144xf32, #tpu.memory_space<vmem_shared>> -> memref<10016x144xf32, #tpu.memory_space<vmem_shared>>
      tpu.enqueue_indirect_dma source(%dma_start3A_533 : memref<64x144xf32, #tpu.memory_space<vmem>>) target(%dma_start3A_539 : memref<10016x144xf32, #tpu.memory_space<vmem_shared>>) offsets(%dma_start3A_536 : memref<64xi32, #tpu.memory_space<vmem>>) semaphore(%arg16 : memref<!tpu.dma_semaphore, #tpu.memory_space<semaphore_mem>>) {add = true}
      %add3A_540 = arith.constant 2 : i32
      %add3A_541 = arith.addi %add3A_462, %add3A_540 : i32
      %lt3A_542 = arith.constant 160 : i32
      %lt3A_543 = arith.cmpi slt, %add3A_541, %lt3A_542 : i32
      %convert_element_type3A_544 = arith.extui %lt3A_543 : i1 to i32
      %cond3A_545 = arith.constant 0 : i32
      %cond3A_546 = arith.cmpi ne, %convert_element_type3A_544, %cond3A_545 : i32
      scf.if %cond3A_546 {
        %add3A_647 = arith.constant 2 : i32
        %add3A_648 = arith.addi %add3A_462, %add3A_647 : i32
        %dma_wait3A_649 = arith.constant 0 : i32
        %dma_wait3A_650 = arith.constant 0 : i32
        %dma_wait3A_651 = arith.constant 0 : i32
        %dma_wait3A_652 = tpu.memref_slice %arg5[%dma_wait3A_649, %dma_wait3A_650, %dma_wait3A_651] : memref<4x2x64xi32, #tpu.memory_space<vmem>> -> memref<1x2x64xi32, #tpu.memory_space<vmem>>
        %dma_wait3A_653 = tpu.memref_squeeze %dma_wait3A_652 : memref<1x2x64xi32, #tpu.memory_space<vmem>> -> memref<2x64xi32, #tpu.memory_space<vmem>>
        %dma_wait3A_654 = arith.constant 0 : i32
        %dma_wait3A_655 = arith.constant 0 : i32
        %dma_wait3A_656 = tpu.memref_slice %arg3[%arg0, %arg1, %add3A_648, %dma_wait3A_654, %dma_wait3A_655] : memref<2x16x160x2x64xi32, #tpu.memory_space<hbm>> -> memref<1x1x1x2x64xi32, #tpu.memory_space<hbm>>
        %dma_wait3A_657 = tpu.memref_squeeze %dma_wait3A_656 : memref<1x1x1x2x64xi32, #tpu.memory_space<hbm>> -> memref<2x64xi32, #tpu.memory_space<hbm>>
        %dma_wait3A_658 = arith.constant 0 : i32
        %dma_wait3A_659 = arith.constant 0 : i32
        %dma_wait3A_660 = tpu.memref_slice %arg5[%dma_wait3A_649, %dma_wait3A_658, %dma_wait3A_659] : memref<4x2x64xi32, #tpu.memory_space<vmem>> -> memref<1x2x64xi32, #tpu.memory_space<vmem>>
        %dma_wait3A_661 = tpu.memref_squeeze %dma_wait3A_660 : memref<1x2x64xi32, #tpu.memory_space<vmem>> -> memref<2x64xi32, #tpu.memory_space<vmem>>
        %dma_wait3A_662 = arith.constant 0 : i32
        %dma_wait3A_663 = arith.constant 0 : i32
        %dma_wait3A_664 = tpu.memref_slice %arg3[%arg0, %arg1, %add3A_648, %dma_wait3A_662, %dma_wait3A_663] : memref<2x16x160x2x64xi32, #tpu.memory_space<hbm>> -> memref<1x1x1x2x64xi32, #tpu.memory_space<hbm>>
        %dma_wait3A_665 = tpu.memref_squeeze %dma_wait3A_664 : memref<1x1x1x2x64xi32, #tpu.memory_space<hbm>> -> memref<2x64xi32, #tpu.memory_space<hbm>>
        tpu.wait_dma2 semaphore(%arg18 : memref<!tpu.dma_semaphore, #tpu.memory_space<semaphore_mem>>) src(%dma_wait3A_665 : memref<2x64xi32, #tpu.memory_space<hbm>>) dst(%dma_wait3A_661 : memref<2x64xi32, #tpu.memory_space<vmem>>)
        %dma_wait3A_666 = arith.constant 0 : i32
        %dma_wait3A_667 = arith.constant 0 : i32
        %dma_wait3A_668 = arith.constant 0 : i32
        %dma_wait3A_669 = arith.constant 0 : i32
        %dma_wait3A_670 = tpu.memref_slice %arg7[%dma_wait3A_666, %dma_wait3A_668, %dma_wait3A_669] : memref<4x64x144xf32, #tpu.memory_space<vmem>> -> memref<1x64x144xf32, #tpu.memory_space<vmem>>
        %dma_wait3A_671 = tpu.memref_squeeze %dma_wait3A_670 : memref<1x64x144xf32, #tpu.memory_space<vmem>> -> memref<64x144xf32, #tpu.memory_space<vmem>>
        %dma_wait3A_672 = arith.constant 0 : i32
        %dma_wait3A_673 = tpu.memref_slice %arg8[%dma_wait3A_667, %dma_wait3A_672] : memref<1x64xi32, #tpu.memory_space<vmem>> -> memref<1x64xi32, #tpu.memory_space<vmem>>
        %dma_wait3A_674 = tpu.memref_squeeze %dma_wait3A_673 : memref<1x64xi32, #tpu.memory_space<vmem>> -> memref<64xi32, #tpu.memory_space<vmem>>
        %dma_wait3A_675 = arith.constant 0 : i32
        %dma_wait3A_676 = arith.constant 0 : i32
        %dma_wait3A_677 = tpu.memref_slice %arg9[%dma_wait3A_675, %dma_wait3A_676] : memref<10016x144xf32, #tpu.memory_space<vmem_shared>> -> memref<10016x144xf32, #tpu.memory_space<vmem_shared>>
        tpu.wait_indirect_dma semaphore(%arg14 : memref<!tpu.dma_semaphore, #tpu.memory_space<semaphore_mem>>) src(%dma_wait3A_671 : memref<64x144xf32, #tpu.memory_space<vmem>>) dst(%dma_wait3A_677 : memref<10016x144xf32, #tpu.memory_space<vmem_shared>>)
        %dma_start3A_678 = arith.constant 0 : i32
        %dma_start3A_679 = arith.constant 0 : i32
        %dma_start3A_680 = arith.constant 0 : i32
        %dma_start3A_681 = arith.constant 0 : i32
        %dma_start3A_682 = arith.constant 0 : i32
        %dma_start3A_683 = tpu.memref_slice %arg7[%dma_start3A_680, %dma_start3A_681, %dma_start3A_682] : memref<4x64x144xf32, #tpu.memory_space<vmem>> -> memref<1x64x144xf32, #tpu.memory_space<vmem>>
        %dma_start3A_684 = tpu.memref_squeeze %dma_start3A_683 : memref<1x64x144xf32, #tpu.memory_space<vmem>> -> memref<64x144xf32, #tpu.memory_space<vmem>>
        %dma_start3A_685 = arith.constant 0 : i32
        %dma_start3A_686 = tpu.memref_slice %arg5[%dma_start3A_678, %dma_start3A_679, %dma_start3A_685] : memref<4x2x64xi32, #tpu.memory_space<vmem>> -> memref<1x1x64xi32, #tpu.memory_space<vmem>>
        %dma_start3A_687 = tpu.memref_squeeze %dma_start3A_686 : memref<1x1x64xi32, #tpu.memory_space<vmem>> -> memref<64xi32, #tpu.memory_space<vmem>>
        %dma_start3A_688 = arith.constant 0 : i32
        %dma_start3A_689 = arith.constant 0 : i32
        %dma_start3A_690 = tpu.memref_slice %arg2[%dma_start3A_688, %dma_start3A_689] : memref<20000x144xf32, #tpu.memory_space<hbm>> -> memref<20000x144xf32, #tpu.memory_space<hbm>>
        tpu.enqueue_indirect_dma source(%dma_start3A_690 : memref<20000x144xf32, #tpu.memory_space<hbm>>) target(%dma_start3A_684 : memref<64x144xf32, #tpu.memory_space<vmem>>) offsets(%dma_start3A_687 : memref<64xi32, #tpu.memory_space<vmem>>) semaphore(%arg10 : memref<!tpu.dma_semaphore, #tpu.memory_space<semaphore_mem>>)
      } else {
      }
      %add3A_547 = arith.constant 4 : i32
      %add3A_548 = arith.addi %add3A_462, %add3A_547 : i32
      %lt3A_549 = arith.constant 160 : i32
      %lt3A_550 = arith.cmpi slt, %add3A_548, %lt3A_549 : i32
      %convert_element_type3A_551 = arith.extui %lt3A_550 : i1 to i32
      %cond3A_552 = arith.constant 0 : i32
      %cond3A_553 = arith.cmpi ne, %convert_element_type3A_551, %cond3A_552 : i32
      scf.if %cond3A_553 {
        %add3A_647 = arith.constant 4 : i32
        %add3A_648 = arith.addi %add3A_462, %add3A_647 : i32
        %dma_start3A_649 = arith.constant 2 : i32
        %dma_start3A_650 = arith.constant 0 : i32
        %dma_start3A_651 = arith.constant 0 : i32
        %dma_start3A_652 = tpu.memref_slice %arg5[%dma_start3A_649, %dma_start3A_650, %dma_start3A_651] : memref<4x2x64xi32, #tpu.memory_space<vmem>> -> memref<1x2x64xi32, #tpu.memory_space<vmem>>
        %dma_start3A_653 = tpu.memref_squeeze %dma_start3A_652 : memref<1x2x64xi32, #tpu.memory_space<vmem>> -> memref<2x64xi32, #tpu.memory_space<vmem>>
        %dma_start3A_654 = arith.constant 0 : i32
        %dma_start3A_655 = arith.constant 0 : i32
        %dma_start3A_656 = tpu.memref_slice %arg3[%arg0, %arg1, %add3A_648, %dma_start3A_654, %dma_start3A_655] : memref<2x16x160x2x64xi32, #tpu.memory_space<hbm>> -> memref<1x1x1x2x64xi32, #tpu.memory_space<hbm>>
        %dma_start3A_657 = tpu.memref_squeeze %dma_start3A_656 : memref<1x1x1x2x64xi32, #tpu.memory_space<hbm>> -> memref<2x64xi32, #tpu.memory_space<hbm>>
        %dma_start3A_658 = arith.constant 0 : i32
        %dma_start3A_659 = arith.constant 0 : i32
        %dma_start3A_660 = tpu.memref_slice %arg5[%dma_start3A_649, %dma_start3A_658, %dma_start3A_659] : memref<4x2x64xi32, #tpu.memory_space<vmem>> -> memref<1x2x64xi32, #tpu.memory_space<vmem>>
        %dma_start3A_661 = tpu.memref_squeeze %dma_start3A_660 : memref<1x2x64xi32, #tpu.memory_space<vmem>> -> memref<2x64xi32, #tpu.memory_space<vmem>>
        %dma_start3A_662 = arith.constant 0 : i32
        %dma_start3A_663 = arith.constant 0 : i32
        %dma_start3A_664 = tpu.memref_slice %arg3[%arg0, %arg1, %add3A_648, %dma_start3A_662, %dma_start3A_663] : memref<2x16x160x2x64xi32, #tpu.memory_space<hbm>> -> memref<1x1x1x2x64xi32, #tpu.memory_space<hbm>>
        %dma_start3A_665 = tpu.memref_squeeze %dma_start3A_664 : memref<1x1x1x2x64xi32, #tpu.memory_space<hbm>> -> memref<2x64xi32, #tpu.memory_space<hbm>>
        tpu.enqueue_dma source(%dma_start3A_665 : memref<2x64xi32, #tpu.memory_space<hbm>>) target(%dma_start3A_661 : memref<2x64xi32, #tpu.memory_space<vmem>>) target_semaphore(%arg20 : memref<!tpu.dma_semaphore, #tpu.memory_space<semaphore_mem>>)
      } else {
      }
      %add3A_554 = arith.constant 3 : i32
      %add3A_555 = arith.addi %mul3A_278, %add3A_554 : i32
      %dma_wait3A_556 = arith.constant 3 : i32
      %dma_wait3A_557 = arith.constant 0 : i32
      %dma_wait3A_558 = arith.constant 3 : i32
      %dma_wait3A_559 = arith.constant 0 : i32
      %dma_wait3A_560 = arith.constant 0 : i32
      %dma_wait3A_561 = tpu.memref_slice %arg7[%dma_wait3A_558, %dma_wait3A_559, %dma_wait3A_560] : memref<4x64x144xf32, #tpu.memory_space<vmem>> -> memref<1x64x144xf32, #tpu.memory_space<vmem>>
      %dma_wait3A_562 = tpu.memref_squeeze %dma_wait3A_561 : memref<1x64x144xf32, #tpu.memory_space<vmem>> -> memref<64x144xf32, #tpu.memory_space<vmem>>
      %dma_wait3A_563 = arith.constant 0 : i32
      %dma_wait3A_564 = tpu.memref_slice %arg5[%dma_wait3A_556, %dma_wait3A_557, %dma_wait3A_563] : memref<4x2x64xi32, #tpu.memory_space<vmem>> -> memref<1x1x64xi32, #tpu.memory_space<vmem>>
      %dma_wait3A_565 = tpu.memref_squeeze %dma_wait3A_564 : memref<1x1x64xi32, #tpu.memory_space<vmem>> -> memref<64xi32, #tpu.memory_space<vmem>>
      %dma_wait3A_566 = arith.constant 0 : i32
      %dma_wait3A_567 = arith.constant 0 : i32
      %dma_wait3A_568 = tpu.memref_slice %arg2[%dma_wait3A_566, %dma_wait3A_567] : memref<20000x144xf32, #tpu.memory_space<hbm>> -> memref<20000x144xf32, #tpu.memory_space<hbm>>
      tpu.wait_indirect_dma semaphore(%arg13 : memref<!tpu.dma_semaphore, #tpu.memory_space<semaphore_mem>>) src(%dma_wait3A_568 : memref<20000x144xf32, #tpu.memory_space<hbm>>) dst(%dma_wait3A_562 : memref<64x144xf32, #tpu.memory_space<vmem>>)
      %get3A_569 = arith.constant 3 : i32
      %get3A_570 = arith.constant 1 : i32
      %get3A_571 = arith.index_cast %get3A_569 : i32 to index
      %get3A_572 = arith.index_cast %get3A_570 : i32 to index
      %get3A_573 = arith.constant 0 : index
      %get3A_574 = tpu.vector_load %arg5[%get3A_571, %get3A_572, %get3A_573] {strides = array<i32>} : memref<4x2x64xi32, #tpu.memory_space<vmem>>, vector<1x1x16xi32>,
      %get3A_575 = vector.shape_cast %get3A_574 : vector<1x1x16xi32> to vector<16xi32>
      %swap3A_576 = arith.constant 3 : i32
      %swap3A_577 = arith.index_cast %swap3A_576 : i32 to index
      %swap3A_578 = arith.constant 0 : index
      %swap3A_579 = tpu.vector_load %arg6[%swap3A_577, %swap3A_578] {strides = array<i32>} : memref<4x64xi32, #tpu.memory_space<vmem>>, vector<1x16xi32>,
      %swap3A_580 = vector.shape_cast %swap3A_579 : vector<1x16xi32> to vector<16xi32>
      %swap3A_581 = vector.shape_cast %get3A_575 : vector<16xi32> to vector<1x16xi32>
      tpu.vector_store %arg6[%swap3A_577, %swap3A_578], %swap3A_581 {strides = array<i32>} : memref<4x64xi32, #tpu.memory_space<vmem>>, vector<1x16xi32>,
      %get3A_582 = arith.constant 3 : i32
      %get3A_583 = arith.constant 1 : i32
      %get3A_584 = arith.index_cast %get3A_582 : i32 to index
      %get3A_585 = arith.index_cast %get3A_583 : i32 to index
      %get3A_586 = arith.constant 16 : index
      %get3A_587 = tpu.vector_load %arg5[%get3A_584, %get3A_585, %get3A_586] {strides = array<i32>} : memref<4x2x64xi32, #tpu.memory_space<vmem>>, vector<1x1x16xi32>,
      %get3A_588 = vector.shape_cast %get3A_587 : vector<1x1x16xi32> to vector<16xi32>
      %swap3A_589 = arith.constant 3 : i32
      %swap3A_590 = arith.index_cast %swap3A_589 : i32 to index
      %swap3A_591 = arith.constant 16 : index
      %swap3A_592 = tpu.vector_load %arg6[%swap3A_590, %swap3A_591] {strides = array<i32>} : memref<4x64xi32, #tpu.memory_space<vmem>>, vector<1x16xi32>,
      %swap3A_593 = vector.shape_cast %swap3A_592 : vector<1x16xi32> to vector<16xi32>
      %swap3A_594 = vector.shape_cast %get3A_588 : vector<16xi32> to vector<1x16xi32>
      tpu.vector_store %arg6[%swap3A_590, %swap3A_591], %swap3A_594 {strides = array<i32>} : memref<4x64xi32, #tpu.memory_space<vmem>>, vector<1x16xi32>,
      %get3A_595 = arith.constant 3 : i32
      %get3A_596 = arith.constant 1 : i32
      %get3A_597 = arith.index_cast %get3A_595 : i32 to index
      %get3A_598 = arith.index_cast %get3A_596 : i32 to index
      %get3A_599 = arith.constant 32 : index
      %get3A_600 = tpu.vector_load %arg5[%get3A_597, %get3A_598, %get3A_599] {strides = array<i32>} : memref<4x2x64xi32, #tpu.memory_space<vmem>>, vector<1x1x16xi32>,
      %get3A_601 = vector.shape_cast %get3A_600 : vector<1x1x16xi32> to vector<16xi32>
      %swap3A_602 = arith.constant 3 : i32
      %swap3A_603 = arith.index_cast %swap3A_602 : i32 to index
      %swap3A_604 = arith.constant 32 : index
      %swap3A_605 = tpu.vector_load %arg6[%swap3A_603, %swap3A_604] {strides = array<i32>} : memref<4x64xi32, #tpu.memory_space<vmem>>, vector<1x16xi32>,
      %swap3A_606 = vector.shape_cast %swap3A_605 : vector<1x16xi32> to vector<16xi32>
      %swap3A_607 = vector.shape_cast %get3A_601 : vector<16xi32> to vector<1x16xi32>
      tpu.vector_store %arg6[%swap3A_603, %swap3A_604], %swap3A_607 {strides = array<i32>} : memref<4x64xi32, #tpu.memory_space<vmem>>, vector<1x16xi32>,
      %get3A_608 = arith.constant 3 : i32
      %get3A_609 = arith.constant 1 : i32
      %get3A_610 = arith.index_cast %get3A_608 : i32 to index
      %get3A_611 = arith.index_cast %get3A_609 : i32 to index
      %get3A_612 = arith.constant 48 : index
      %get3A_613 = tpu.vector_load %arg5[%get3A_610, %get3A_611, %get3A_612] {strides = array<i32>} : memref<4x2x64xi32, #tpu.memory_space<vmem>>, vector<1x1x16xi32>,
      %get3A_614 = vector.shape_cast %get3A_613 : vector<1x1x16xi32> to vector<16xi32>
      %swap3A_615 = arith.constant 3 : i32
      %swap3A_616 = arith.index_cast %swap3A_615 : i32 to index
      %swap3A_617 = arith.constant 48 : index
      %swap3A_618 = tpu.vector_load %arg6[%swap3A_616, %swap3A_617] {strides = array<i32>} : memref<4x64xi32, #tpu.memory_space<vmem>>, vector<1x16xi32>,
      %swap3A_619 = vector.shape_cast %swap3A_618 : vector<1x16xi32> to vector<16xi32>
      %swap3A_620 = vector.shape_cast %get3A_614 : vector<16xi32> to vector<1x16xi32>
      tpu.vector_store %arg6[%swap3A_616, %swap3A_617], %swap3A_620 {strides = array<i32>} : memref<4x64xi32, #tpu.memory_space<vmem>>, vector<1x16xi32>,
      %dma_start3A_621 = arith.constant 3 : i32
      %dma_start3A_622 = arith.constant 3 : i32
      %dma_start3A_623 = arith.constant 0 : i32
      %dma_start3A_624 = arith.constant 0 : i32
      %dma_start3A_625 = tpu.memref_slice %arg7[%dma_start3A_621, %dma_start3A_623, %dma_start3A_624] : memref<4x64x144xf32, #tpu.memory_space<vmem>> -> memref<1x64x144xf32, #tpu.memory_space<vmem>>
      %dma_start3A_626 = tpu.memref_squeeze %dma_start3A_625 : memref<1x64x144xf32, #tpu.memory_space<vmem>> -> memref<64x144xf32, #tpu.memory_space<vmem>>
      %dma_start3A_627 = arith.constant 0 : i32
      %dma_start3A_628 = tpu.memref_slice %arg6[%dma_start3A_622, %dma_start3A_627] : memref<4x64xi32, #tpu.memory_space<vmem>> -> memref<1x64xi32, #tpu.memory_space<vmem>>
      %dma_start3A_629 = tpu.memref_squeeze %dma_start3A_628 : memref<1x64xi32, #tpu.memory_space<vmem>> -> memref<64xi32, #tpu.memory_space<vmem>>
      %dma_start3A_630 = arith.constant 0 : i32
      %dma_start3A_631 = arith.constant 0 : i32
      %dma_start3A_632 = tpu.memref_slice %arg9[%dma_start3A_630, %dma_start3A_631] : memref<10016x144xf32, #tpu.memory_space<vmem_shared>> -> memref<10016x144xf32, #tpu.memory_space<vmem_shared>>
      tpu.enqueue_indirect_dma source(%dma_start3A_626 : memref<64x144xf32, #tpu.memory_space<vmem>>) target(%dma_start3A_632 : memref<10016x144xf32, #tpu.memory_space<vmem_shared>>) offsets(%dma_start3A_629 : memref<64xi32, #tpu.memory_space<vmem>>) semaphore(%arg17 : memref<!tpu.dma_semaphore, #tpu.memory_space<semaphore_mem>>) {add = true}
      %add3A_633 = arith.constant 2 : i32
      %add3A_634 = arith.addi %add3A_555, %add3A_633 : i32
      %lt3A_635 = arith.constant 160 : i32
      %lt3A_636 = arith.cmpi slt, %add3A_634, %lt3A_635 : i32
      %convert_element_type3A_637 = arith.extui %lt3A_636 : i1 to i32
      %cond3A_638 = arith.constant 0 : i32
      %cond3A_639 = arith.cmpi ne, %convert_element_type3A_637, %cond3A_638 : i32
      scf.if %cond3A_639 {
        %add3A_647 = arith.constant 2 : i32
        %add3A_648 = arith.addi %add3A_555, %add3A_647 : i32
        %dma_wait3A_649 = arith.constant 1 : i32
        %dma_wait3A_650 = arith.constant 0 : i32
        %dma_wait3A_651 = arith.constant 0 : i32
        %dma_wait3A_652 = tpu.memref_slice %arg5[%dma_wait3A_649, %dma_wait3A_650, %dma_wait3A_651] : memref<4x2x64xi32, #tpu.memory_space<vmem>> -> memref<1x2x64xi32, #tpu.memory_space<vmem>>
        %dma_wait3A_653 = tpu.memref_squeeze %dma_wait3A_652 : memref<1x2x64xi32, #tpu.memory_space<vmem>> -> memref<2x64xi32, #tpu.memory_space<vmem>>
        %dma_wait3A_654 = arith.constant 0 : i32
        %dma_wait3A_655 = arith.constant 0 : i32
        %dma_wait3A_656 = tpu.memref_slice %arg3[%arg0, %arg1, %add3A_648, %dma_wait3A_654, %dma_wait3A_655] : memref<2x16x160x2x64xi32, #tpu.memory_space<hbm>> -> memref<1x1x1x2x64xi32, #tpu.memory_space<hbm>>
        %dma_wait3A_657 = tpu.memref_squeeze %dma_wait3A_656 : memref<1x1x1x2x64xi32, #tpu.memory_space<hbm>> -> memref<2x64xi32, #tpu.memory_space<hbm>>
        %dma_wait3A_658 = arith.constant 0 : i32
        %dma_wait3A_659 = arith.constant 0 : i32
        %dma_wait3A_660 = tpu.memref_slice %arg5[%dma_wait3A_649, %dma_wait3A_658, %dma_wait3A_659] : memref<4x2x64xi32, #tpu.memory_space<vmem>> -> memref<1x2x64xi32, #tpu.memory_space<vmem>>
        %dma_wait3A_661 = tpu.memref_squeeze %dma_wait3A_660 : memref<1x2x64xi32, #tpu.memory_space<vmem>> -> memref<2x64xi32, #tpu.memory_space<vmem>>
        %dma_wait3A_662 = arith.constant 0 : i32
        %dma_wait3A_663 = arith.constant 0 : i32
        %dma_wait3A_664 = tpu.memref_slice %arg3[%arg0, %arg1, %add3A_648, %dma_wait3A_662, %dma_wait3A_663] : memref<2x16x160x2x64xi32, #tpu.memory_space<hbm>> -> memref<1x1x1x2x64xi32, #tpu.memory_space<hbm>>
        %dma_wait3A_665 = tpu.memref_squeeze %dma_wait3A_664 : memref<1x1x1x2x64xi32, #tpu.memory_space<hbm>> -> memref<2x64xi32, #tpu.memory_space<hbm>>
        tpu.wait_dma2 semaphore(%arg19 : memref<!tpu.dma_semaphore, #tpu.memory_space<semaphore_mem>>) src(%dma_wait3A_665 : memref<2x64xi32, #tpu.memory_space<hbm>>) dst(%dma_wait3A_661 : memref<2x64xi32, #tpu.memory_space<vmem>>)
        %dma_wait3A_666 = arith.constant 1 : i32
        %dma_wait3A_667 = arith.constant 0 : i32
        %dma_wait3A_668 = arith.constant 0 : i32
        %dma_wait3A_669 = arith.constant 0 : i32
        %dma_wait3A_670 = tpu.memref_slice %arg7[%dma_wait3A_666, %dma_wait3A_668, %dma_wait3A_669] : memref<4x64x144xf32, #tpu.memory_space<vmem>> -> memref<1x64x144xf32, #tpu.memory_space<vmem>>
        %dma_wait3A_671 = tpu.memref_squeeze %dma_wait3A_670 : memref<1x64x144xf32, #tpu.memory_space<vmem>> -> memref<64x144xf32, #tpu.memory_space<vmem>>
        %dma_wait3A_672 = arith.constant 0 : i32
        %dma_wait3A_673 = tpu.memref_slice %arg8[%dma_wait3A_667, %dma_wait3A_672] : memref<1x64xi32, #tpu.memory_space<vmem>> -> memref<1x64xi32, #tpu.memory_space<vmem>>
        %dma_wait3A_674 = tpu.memref_squeeze %dma_wait3A_673 : memref<1x64xi32, #tpu.memory_space<vmem>> -> memref<64xi32, #tpu.memory_space<vmem>>
        %dma_wait3A_675 = arith.constant 0 : i32
        %dma_wait3A_676 = arith.constant 0 : i32
        %dma_wait3A_677 = tpu.memref_slice %arg9[%dma_wait3A_675, %dma_wait3A_676] : memref<10016x144xf32, #tpu.memory_space<vmem_shared>> -> memref<10016x144xf32, #tpu.memory_space<vmem_shared>>
        tpu.wait_indirect_dma semaphore(%arg15 : memref<!tpu.dma_semaphore, #tpu.memory_space<semaphore_mem>>) src(%dma_wait3A_671 : memref<64x144xf32, #tpu.memory_space<vmem>>) dst(%dma_wait3A_677 : memref<10016x144xf32, #tpu.memory_space<vmem_shared>>)
        %dma_start3A_678 = arith.constant 1 : i32
        %dma_start3A_679 = arith.constant 0 : i32
        %dma_start3A_680 = arith.constant 1 : i32
        %dma_start3A_681 = arith.constant 0 : i32
        %dma_start3A_682 = arith.constant 0 : i32
        %dma_start3A_683 = tpu.memref_slice %arg7[%dma_start3A_680, %dma_start3A_681, %dma_start3A_682] : memref<4x64x144xf32, #tpu.memory_space<vmem>> -> memref<1x64x144xf32, #tpu.memory_space<vmem>>
        %dma_start3A_684 = tpu.memref_squeeze %dma_start3A_683 : memref<1x64x144xf32, #tpu.memory_space<vmem>> -> memref<64x144xf32, #tpu.memory_space<vmem>>
        %dma_start3A_685 = arith.constant 0 : i32
        %dma_start3A_686 = tpu.memref_slice %arg5[%dma_start3A_678, %dma_start3A_679, %dma_start3A_685] : memref<4x2x64xi32, #tpu.memory_space<vmem>> -> memref<1x1x64xi32, #tpu.memory_space<vmem>>
        %dma_start3A_687 = tpu.memref_squeeze %dma_start3A_686 : memref<1x1x64xi32, #tpu.memory_space<vmem>> -> memref<64xi32, #tpu.memory_space<vmem>>
        %dma_start3A_688 = arith.constant 0 : i32
        %dma_start3A_689 = arith.constant 0 : i32
        %dma_start3A_690 = tpu.memref_slice %arg2[%dma_start3A_688, %dma_start3A_689] : memref<20000x144xf32, #tpu.memory_space<hbm>> -> memref<20000x144xf32, #tpu.memory_space<hbm>>
        tpu.enqueue_indirect_dma source(%dma_start3A_690 : memref<20000x144xf32, #tpu.memory_space<hbm>>) target(%dma_start3A_684 : memref<64x144xf32, #tpu.memory_space<vmem>>) offsets(%dma_start3A_687 : memref<64xi32, #tpu.memory_space<vmem>>) semaphore(%arg11 : memref<!tpu.dma_semaphore, #tpu.memory_space<semaphore_mem>>)
      } else {
      }
      %add3A_640 = arith.constant 4 : i32
      %add3A_641 = arith.addi %add3A_555, %add3A_640 : i32
      %lt3A_642 = arith.constant 160 : i32
      %lt3A_643 = arith.cmpi slt, %add3A_641, %lt3A_642 : i32
      %convert_element_type3A_644 = arith.extui %lt3A_643 : i1 to i32
      %cond3A_645 = arith.constant 0 : i32
      %cond3A_646 = arith.cmpi ne, %convert_element_type3A_644, %cond3A_645 : i32
      scf.if %cond3A_646 {
        %add3A_647 = arith.constant 4 : i32
        %add3A_648 = arith.addi %add3A_555, %add3A_647 : i32
        %dma_start3A_649 = arith.constant 3 : i32
        %dma_start3A_650 = arith.constant 0 : i32
        %dma_start3A_651 = arith.constant 0 : i32
        %dma_start3A_652 = tpu.memref_slice %arg5[%dma_start3A_649, %dma_start3A_650, %dma_start3A_651] : memref<4x2x64xi32, #tpu.memory_space<vmem>> -> memref<1x2x64xi32, #tpu.memory_space<vmem>>
        %dma_start3A_653 = tpu.memref_squeeze %dma_start3A_652 : memref<1x2x64xi32, #tpu.memory_space<vmem>> -> memref<2x64xi32, #tpu.memory_space<vmem>>
        %dma_start3A_654 = arith.constant 0 : i32
        %dma_start3A_655 = arith.constant 0 : i32
        %dma_start3A_656 = tpu.memref_slice %arg3[%arg0, %arg1, %add3A_648, %dma_start3A_654, %dma_start3A_655] : memref<2x16x160x2x64xi32, #tpu.memory_space<hbm>> -> memref<1x1x1x2x64xi32, #tpu.memory_space<hbm>>
        %dma_start3A_657 = tpu.memref_squeeze %dma_start3A_656 : memref<1x1x1x2x64xi32, #tpu.memory_space<hbm>> -> memref<2x64xi32, #tpu.memory_space<hbm>>
        %dma_start3A_658 = arith.constant 0 : i32
        %dma_start3A_659 = arith.constant 0 : i32
        %dma_start3A_660 = tpu.memref_slice %arg5[%dma_start3A_649, %dma_start3A_658, %dma_start3A_659] : memref<4x2x64xi32, #tpu.memory_space<vmem>> -> memref<1x2x64xi32, #tpu.memory_space<vmem>>
        %dma_start3A_661 = tpu.memref_squeeze %dma_start3A_660 : memref<1x2x64xi32, #tpu.memory_space<vmem>> -> memref<2x64xi32, #tpu.memory_space<vmem>>
        %dma_start3A_662 = arith.constant 0 : i32
        %dma_start3A_663 = arith.constant 0 : i32
        %dma_start3A_664 = tpu.memref_slice %arg3[%arg0, %arg1, %add3A_648, %dma_start3A_662, %dma_start3A_663] : memref<2x16x160x2x64xi32, #tpu.memory_space<hbm>> -> memref<1x1x1x2x64xi32, #tpu.memory_space<hbm>>
        %dma_start3A_665 = tpu.memref_squeeze %dma_start3A_664 : memref<1x1x1x2x64xi32, #tpu.memory_space<hbm>> -> memref<2x64xi32, #tpu.memory_space<hbm>>
        tpu.enqueue_dma source(%dma_start3A_665 : memref<2x64xi32, #tpu.memory_space<hbm>>) target(%dma_start3A_661 : memref<2x64xi32, #tpu.memory_space<vmem>>) target_semaphore(%arg21 : memref<!tpu.dma_semaphore, #tpu.memory_space<semaphore_mem>>)
      } else {
      }
    }
    %scan3A_226 = arith.constant 40 : i32
    %dma_wait3A_227 = arith.constant 0 : i32
    %dma_wait3A_228 = arith.constant 0 : i32
    %dma_wait3A_229 = arith.constant 0 : i32
    %dma_wait3A_230 = arith.constant 0 : i32
    %dma_wait3A_231 = tpu.memref_slice %arg7[%dma_wait3A_227, %dma_wait3A_229, %dma_wait3A_230] : memref<4x64x144xf32, #tpu.memory_space<vmem>> -> memref<1x64x144xf32, #tpu.memory_space<vmem>>
    %dma_wait3A_232 = tpu.memref_squeeze %dma_wait3A_231 : memref<1x64x144xf32, #tpu.memory_space<vmem>> -> memref<64x144xf32, #tpu.memory_space<vmem>>
    %dma_wait3A_233 = arith.constant 0 : i32
    %dma_wait3A_234 = tpu.memref_slice %arg8[%dma_wait3A_228, %dma_wait3A_233] : memref<1x64xi32, #tpu.memory_space<vmem>> -> memref<1x64xi32, #tpu.memory_space<vmem>>
    %dma_wait3A_235 = tpu.memref_squeeze %dma_wait3A_234 : memref<1x64xi32, #tpu.memory_space<vmem>> -> memref<64xi32, #tpu.memory_space<vmem>>
    %dma_wait3A_236 = arith.constant 0 : i32
    %dma_wait3A_237 = arith.constant 0 : i32
    %dma_wait3A_238 = tpu.memref_slice %arg9[%dma_wait3A_236, %dma_wait3A_237] : memref<10016x144xf32, #tpu.memory_space<vmem_shared>> -> memref<10016x144xf32, #tpu.memory_space<vmem_shared>>
    tpu.wait_indirect_dma semaphore(%arg14 : memref<!tpu.dma_semaphore, #tpu.memory_space<semaphore_mem>>) src(%dma_wait3A_232 : memref<64x144xf32, #tpu.memory_space<vmem>>) dst(%dma_wait3A_238 : memref<10016x144xf32, #tpu.memory_space<vmem_shared>>)
    %dma_wait3A_239 = arith.constant 1 : i32
    %dma_wait3A_240 = arith.constant 0 : i32
    %dma_wait3A_241 = arith.constant 0 : i32
    %dma_wait3A_242 = arith.constant 0 : i32
    %dma_wait3A_243 = tpu.memref_slice %arg7[%dma_wait3A_239, %dma_wait3A_241, %dma_wait3A_242] : memref<4x64x144xf32, #tpu.memory_space<vmem>> -> memref<1x64x144xf32, #tpu.memory_space<vmem>>
    %dma_wait3A_244 = tpu.memref_squeeze %dma_wait3A_243 : memref<1x64x144xf32, #tpu.memory_space<vmem>> -> memref<64x144xf32, #tpu.memory_space<vmem>>
    %dma_wait3A_245 = arith.constant 0 : i32
    %dma_wait3A_246 = tpu.memref_slice %arg8[%dma_wait3A_240, %dma_wait3A_245] : memref<1x64xi32, #tpu.memory_space<vmem>> -> memref<1x64xi32, #tpu.memory_space<vmem>>
    %dma_wait3A_247 = tpu.memref_squeeze %dma_wait3A_246 : memref<1x64xi32, #tpu.memory_space<vmem>> -> memref<64xi32, #tpu.memory_space<vmem>>
    %dma_wait3A_248 = arith.constant 0 : i32
    %dma_wait3A_249 = arith.constant 0 : i32
    %dma_wait3A_250 = tpu.memref_slice %arg9[%dma_wait3A_248, %dma_wait3A_249] : memref<10016x144xf32, #tpu.memory_space<vmem_shared>> -> memref<10016x144xf32, #tpu.memory_space<vmem_shared>>
    tpu.wait_indirect_dma semaphore(%arg15 : memref<!tpu.dma_semaphore, #tpu.memory_space<semaphore_mem>>) src(%dma_wait3A_244 : memref<64x144xf32, #tpu.memory_space<vmem>>) dst(%dma_wait3A_250 : memref<10016x144xf32, #tpu.memory_space<vmem_shared>>)
    %dma_wait3A_251 = arith.constant 2 : i32
    %dma_wait3A_252 = arith.constant 0 : i32
    %dma_wait3A_253 = arith.constant 0 : i32
    %dma_wait3A_254 = arith.constant 0 : i32
    %dma_wait3A_255 = tpu.memref_slice %arg7[%dma_wait3A_251, %dma_wait3A_253, %dma_wait3A_254] : memref<4x64x144xf32, #tpu.memory_space<vmem>> -> memref<1x64x144xf32, #tpu.memory_space<vmem>>
    %dma_wait3A_256 = tpu.memref_squeeze %dma_wait3A_255 : memref<1x64x144xf32, #tpu.memory_space<vmem>> -> memref<64x144xf32, #tpu.memory_space<vmem>>
    %dma_wait3A_257 = arith.constant 0 : i32
    %dma_wait3A_258 = tpu.memref_slice %arg8[%dma_wait3A_252, %dma_wait3A_257] : memref<1x64xi32, #tpu.memory_space<vmem>> -> memref<1x64xi32, #tpu.memory_space<vmem>>
    %dma_wait3A_259 = tpu.memref_squeeze %dma_wait3A_258 : memref<1x64xi32, #tpu.memory_space<vmem>> -> memref<64xi32, #tpu.memory_space<vmem>>
    %dma_wait3A_260 = arith.constant 0 : i32
    %dma_wait3A_261 = arith.constant 0 : i32
    %dma_wait3A_262 = tpu.memref_slice %arg9[%dma_wait3A_260, %dma_wait3A_261] : memref<10016x144xf32, #tpu.memory_space<vmem_shared>> -> memref<10016x144xf32, #tpu.memory_space<vmem_shared>>
    tpu.wait_indirect_dma semaphore(%arg16 : memref<!tpu.dma_semaphore, #tpu.memory_space<semaphore_mem>>) src(%dma_wait3A_256 : memref<64x144xf32, #tpu.memory_space<vmem>>) dst(%dma_wait3A_262 : memref<10016x144xf32, #tpu.memory_space<vmem_shared>>)
    %dma_wait3A_263 = arith.constant 3 : i32
    %dma_wait3A_264 = arith.constant 0 : i32
    %dma_wait3A_265 = arith.constant 0 : i32
    %dma_wait3A_266 = arith.constant 0 : i32
    %dma_wait3A_267 = tpu.memref_slice %arg7[%dma_wait3A_263, %dma_wait3A_265, %dma_wait3A_266] : memref<4x64x144xf32, #tpu.memory_space<vmem>> -> memref<1x64x144xf32, #tpu.memory_space<vmem>>
    %dma_wait3A_268 = tpu.memref_squeeze %dma_wait3A_267 : memref<1x64x144xf32, #tpu.memory_space<vmem>> -> memref<64x144xf32, #tpu.memory_space<vmem>>
    %dma_wait3A_269 = arith.constant 0 : i32
    %dma_wait3A_270 = tpu.memref_slice %arg8[%dma_wait3A_264, %dma_wait3A_269] : memref<1x64xi32, #tpu.memory_space<vmem>> -> memref<1x64xi32, #tpu.memory_space<vmem>>
    %dma_wait3A_271 = tpu.memref_squeeze %dma_wait3A_270 : memref<1x64xi32, #tpu.memory_space<vmem>> -> memref<64xi32, #tpu.memory_space<vmem>>
    %dma_wait3A_272 = arith.constant 0 : i32
    %dma_wait3A_273 = arith.constant 0 : i32
    %dma_wait3A_274 = tpu.memref_slice %arg9[%dma_wait3A_272, %dma_wait3A_273] : memref<10016x144xf32, #tpu.memory_space<vmem_shared>> -> memref<10016x144xf32, #tpu.memory_space<vmem_shared>>
    tpu.wait_indirect_dma semaphore(%arg17 : memref<!tpu.dma_semaphore, #tpu.memory_space<semaphore_mem>>) src(%dma_wait3A_268 : memref<64x144xf32, #tpu.memory_space<vmem>>) dst(%dma_wait3A_274 : memref<10016x144xf32, #tpu.memory_space<vmem_shared>>)
    %barrier3A_275 = arith.constant 0 : index
    tpu.barrier barrier_id(%barrier3A_275)
    "tpu.region"() ({
      %run_scoped3A_276 = tpu.sem_alloc : memref<!tpu.dma_semaphore, #tpu.memory_space<semaphore_mem>>
      %dma_start3A_277 = arith.constant 0 : i32
      %dma_start3A_278 = tpu.memref_slice %arg4[%arg0, %mul3A_35, %dma_start3A_277] : memref<2x10016x144xf32, #tpu.memory_space<hbm>> -> memref<1x626x144xf32, #tpu.memory_space<hbm>>
      %dma_start3A_279 = tpu.memref_squeeze %dma_start3A_278 : memref<1x626x144xf32, #tpu.memory_space<hbm>> -> memref<626x144xf32, #tpu.memory_space<hbm>>
      %dma_start3A_280 = arith.constant 0 : i32
      %dma_start3A_281 = tpu.memref_slice %arg9[%mul3A_35, %dma_start3A_280] : memref<10016x144xf32, #tpu.memory_space<vmem_shared>> -> memref<626x144xf32, #tpu.memory_space<vmem_shared>>
      tpu.enqueue_dma source(%dma_start3A_281 : memref<626x144xf32, #tpu.memory_space<vmem_shared>>) target(%dma_start3A_279 : memref<626x144xf32, #tpu.memory_space<hbm>>) target_semaphore(%run_scoped3A_276 : memref<!tpu.dma_semaphore, #tpu.memory_space<semaphore_mem>>)
      %dma_wait3A_282 = arith.constant 0 : i32
      %dma_wait3A_283 = tpu.memref_slice %arg4[%arg0, %mul3A_35, %dma_wait3A_282] : memref<2x10016x144xf32, #tpu.memory_space<hbm>> -> memref<1x626x144xf32, #tpu.memory_space<hbm>>
      %dma_wait3A_284 = tpu.memref_squeeze %dma_wait3A_283 : memref<1x626x144xf32, #tpu.memory_space<hbm>> -> memref<626x144xf32, #tpu.memory_space<hbm>>
      %dma_wait3A_285 = arith.constant 0 : i32
      %dma_wait3A_286 = tpu.memref_slice %arg9[%mul3A_35, %dma_wait3A_285] : memref<10016x144xf32, #tpu.memory_space<vmem_shared>> -> memref<626x144xf32, #tpu.memory_space<vmem_shared>>
      tpu.wait_dma2 semaphore(%run_scoped3A_276 : memref<!tpu.dma_semaphore, #tpu.memory_space<semaphore_mem>>) src(%dma_wait3A_286 : memref<626x144xf32, #tpu.memory_space<vmem_shared>>) dst(%dma_wait3A_284 : memref<626x144xf32, #tpu.memory_space<hbm>>)
      tpu.yield
    }) : () -> ()
    return
  }
}

module attributes {stable_mosaic.version = 14 : i64} {
  func.func @_tc_body(%arg0: i32, %arg1: memref<2x1000x144xf32, #tpu.memory_space<vmem>>, %arg2: memref<1000x256xf32, #tpu.memory_space<vmem>>, %arg3: memref<256x256xf32, #tpu.memory_space<vmem>>, %arg4: memref<1x256xf32, #tpu.memory_space<vmem>>, %arg5: memref<1000x256xf32, #tpu.memory_space<vmem>>) attributes {dimension_semantics = [#tpu.dimension_semantics<arbitrary>], iteration_bounds = array<i64: 10>, scalar_prefetch = 0 : i64, scratch_operands = 0 : i64, tpu.core_type = #tpu.core_type<tc>, window_params = [{transform_indices = @transform_0, window_bounds = array<i64: 2, 1000, 144>}, {transform_indices = @transform_1, window_bounds = array<i64: 1000, 256>}, {pipeline_mode = #tpu.pipeline_mode<synchronous>, transform_indices = @transform_2, window_bounds = array<i64: 256, 256>}, {pipeline_mode = #tpu.pipeline_mode<synchronous>, transform_indices = @transform_3, window_bounds = array<i64: 1, 256>}, {transform_indices = @transform_4, window_bounds = array<i64: 1000, 256>}]} {
    %get3A = arith.constant 0 : index
    %get3A_0 = arith.constant 0 : index
    %get3A_1 = arith.constant 128 : index
    %get3A_2 = vector.load %arg1[%get3A, %get3A_0, %get3A_1] : memref<2x1000x144xf32, #tpu.memory_space<vmem>>, vector<1x1000x1xf32>
    %get3A_3 = vector.shape_cast %get3A_2 : vector<1x1000x1xf32> to vector<1000x1xf32>
    %max3A = arith.constant 1.000000e+00 : f32
    %max3A_4 = vector.broadcast %max3A : f32 to vector<1000x1xf32>
    %max3A_5 = arith.maximumf %get3A_3, %max3A_4 : vector<1000x1xf32>
    %get3A_6 = arith.constant 0 : index
    %get3A_7 = arith.constant 0 : index
    %get3A_8 = arith.constant 0 : index
    %get3A_9 = vector.load %arg1[%get3A_6, %get3A_7, %get3A_8] : memref<2x1000x144xf32, #tpu.memory_space<vmem>>, vector<1x1000x128xf32>
    %get3A_10 = vector.shape_cast %get3A_9 : vector<1x1000x128xf32> to vector<1000x128xf32>
    %div3A = vector.broadcast %max3A_5 : vector<1000x1xf32> to vector<1000x128xf32>
    %div3A_11 = arith.divf %get3A_10, %div3A : vector<1000x128xf32>
    %get3A_12 = arith.constant 1 : index
    %get3A_13 = arith.constant 0 : index
    %get3A_14 = arith.constant 0 : index
    %get3A_15 = vector.load %arg1[%get3A_12, %get3A_13, %get3A_14] : memref<2x1000x144xf32, #tpu.memory_space<vmem>>, vector<1x1000x128xf32>
    %get3A_16 = vector.shape_cast %get3A_15 : vector<1x1000x128xf32> to vector<1000x128xf32>
    %div3A_17 = vector.broadcast %max3A_5 : vector<1000x1xf32> to vector<1000x128xf32>
    %div3A_18 = arith.divf %get3A_16, %div3A_17 : vector<1000x128xf32>
    %get3A_19 = arith.constant 0 : index
    %get3A_20 = arith.constant 0 : index
    %get3A_21 = vector.load %arg3[%get3A_19, %get3A_20] : memref<256x256xf32, #tpu.memory_space<vmem>>, vector<128x256xf32>
    %dot_general3A = arith.constant dense<0.000000e+00> : vector<1000x256xf32>
    %dot_general3A_22 = tpu.matmul %div3A_11, %get3A_21, %dot_general3A {dimension_numbers = #tpu.dot_dimension_numbers<[1], [0], [0], [1], [0, 0, 1, 1], [], []>, transpose_lhs_hint = false} : vector<1000x128xf32>, vector<128x256xf32>, vector<1000x256xf32> -> vector<1000x256xf32>
    %get3A_23 = arith.constant 128 : index
    %get3A_24 = arith.constant 0 : index
    %get3A_25 = vector.load %arg3[%get3A_23, %get3A_24] : memref<256x256xf32, #tpu.memory_space<vmem>>, vector<128x256xf32>
    %dot_general3A_26 = arith.constant dense<0.000000e+00> : vector<1000x256xf32>
    %dot_general3A_27 = tpu.matmul %div3A_18, %get3A_25, %dot_general3A_26 {dimension_numbers = #tpu.dot_dimension_numbers<[1], [0], [0], [1], [0, 0, 1, 1], [], []>, transpose_lhs_hint = false} : vector<1000x128xf32>, vector<128x256xf32>, vector<1000x256xf32> -> vector<1000x256xf32>
    %add3A = arith.addf %dot_general3A_22, %dot_general3A_27 : vector<1000x256xf32>
    %get3A_28 = arith.constant 0 : index
    %get3A_29 = arith.constant 0 : index
    %get3A_30 = vector.load %arg4[%get3A_28, %get3A_29] : memref<1x256xf32, #tpu.memory_space<vmem>>, vector<1x256xf32>
    %add3A_31 = vector.broadcast %get3A_30 : vector<1x256xf32> to vector<1000x256xf32>
    %add3A_32 = arith.addf %add3A, %add3A_31 : vector<1000x256xf32>
    %get3A_33 = arith.constant 0 : index
    %get3A_34 = arith.constant 0 : index
    %get3A_35 = vector.load %arg2[%get3A_33, %get3A_34] : memref<1000x256xf32, #tpu.memory_space<vmem>>, vector<1000x256xf32>
    %max3A_36 = arith.constant 0.000000e+00 : f32
    %max3A_37 = vector.broadcast %max3A_36 : f32 to vector<1000x256xf32>
    %max3A_38 = arith.maximumf %add3A_32, %max3A_37 : vector<1000x256xf32>
    %add3A_39 = arith.addf %get3A_35, %max3A_38 : vector<1000x256xf32>
    %swap3A = arith.constant 0 : index
    %swap3A_40 = arith.constant 0 : index
    %swap3A_41 = vector.load %arg5[%swap3A, %swap3A_40] : memref<1000x256xf32, #tpu.memory_space<vmem>>, vector<1000x256xf32>
    tpu.vector_store %arg5[%swap3A, %swap3A_40], %add3A_39 {strides = array<i32>} : memref<1000x256xf32, #tpu.memory_space<vmem>>, vector<1000x256xf32>,
    return
  }
  func.func @transform_0(%arg0: i32) -> (i32, i32, i32) {
    %c0_i32 = arith.constant 0 : i32
    %c0_i32_0 = arith.constant 0 : i32
    %c0_i32_1 = arith.constant 0 : i32
    return %c0_i32, %arg0, %c0_i32_0 : i32, i32, i32
  }
  func.func @transform_1(%arg0: i32) -> (i32, i32) {
    %c0_i32 = arith.constant 0 : i32
    %c0_i32_0 = arith.constant 0 : i32
    return %arg0, %c0_i32 : i32, i32
  }
  func.func @transform_2(%arg0: i32) -> (i32, i32) {
    %c0_i32 = arith.constant 0 : i32
    %c0_i32_0 = arith.constant 0 : i32
    %c0_i32_1 = arith.constant 0 : i32
    return %c0_i32, %c0_i32_0 : i32, i32
  }
  func.func @transform_3(%arg0: i32) -> (i32, i32) {
    %c0_i32 = arith.constant 0 : i32
    %c0_i32_0 = arith.constant 0 : i32
    %c0_i32_1 = arith.constant 0 : i32
    return %c0_i32, %c0_i32_0 : i32, i32
  }
  func.func @transform_4(%arg0: i32) -> (i32, i32) {
    %c0_i32 = arith.constant 0 : i32
    %c0_i32_0 = arith.constant 0 : i32
    return %arg0, %c0_i32 : i32, i32
  }
}

</mosaic_0001>

<sc_bundles>
// kernel: kernel.4.cloned.1.call-start
scs
__scs_entry_jumppad:
0x0: {  	(pc) =	sbr.rel $0x88, $3  }
0x1: {  	(tag) =	ssettag $0x0;
	lr =	simm.s32 $0x1  }
0x2: {  	[smem:$0x3F9D] =	sst lr;
	_ =	strace $0xD0000000  }
0x3: {  	_ = 	snop  }
0x4: {  	_ = 	snop  }
0x5: {  	_ = 	snop  }
0x6: {  	_ = 	snop  }
0x7: {  	_ = 	snop  }
__scs_overlays_trampoline_lowered:
0x8: {  	[smem:$0x3FAC] =	sst s0  }
0x9: {  	[smem:$0x3FAD] =	sst s1  }
0xa: {  	[smem:$0x3FAE] =	sst s2  }
0xb: {  	[smem:$0x3FAF] =	sst s3  }
0xc: {  	[smem:$0x3FB0] =	sst s4  }
0xd: {  	[smem:$0x3FB1] =	sst s5  }
0xe: {  	[smem:$0x3FB2] =	sst s6  }
0xf: {  	[smem:$0x3FB3] =	sst s7  }
0x10: {  	[smem:$0x3FB4] =	sst s8  }
0x11: {  	[smem:$0x3FB5] =	sst s9;
	s0 =	simm.s32 @!p0 $0x0  }
0x12: {  	s1 =	sld [smem:$0x3F9B];
	s0 =	simm.s32 @p0 $0x1  }
0x13: {  	[smem:$0x3FB6] =	sst s0;
	s0 =	simm.s32 @!p1 $0x0  }
0x14: {  	s2 =	sld [smem:$0x3F9A];
	s0 =	simm.s32 @p1 $0x1  }
0x15: {  	[smem:$0x3FB7] =	sst s0;
	s0 =	simm.s32 @!p2 $0x0  }
0x16: {  	s3 =	sld [smem:$0x3FDB];
	s0 =	simm.s32 @p2 $0x1  }
0x17: {  	s4 =	simm.s32 $0x1BF5;
	[smem:$0x3FB9] =	sst s0  }
0x18: {  	s0 =	sld [smem:$0x3F9C];
	_ =	swait.ge [sflag:s4], $0x0  }
0x19: {  	s7 =	sld [smem:$0x3F9D]  }
0x1a: {  	s8 =	sadd.s32 $0xFFFFE003, lr  }
0x1b: {  	s9 =	sadd.s32 $0xFFFFFEF7, lr;
	s5 =	simm.s32 $0xFFFFFFFF;
	p2 =	slt.u32 s8, $0xFFFFF086  }
0x1c: {  	p1 =	slt.u32 s9, $0xF7A;
	s5 =	simm.s32 @!p2 $0x0  }
0x1d: {  	s5 =	simm.s32 @p1 $0x1;
	p0 =	seq.s32 s7, s2  }
0x1e: {  	s7 =	smul.u32 @!p0 $0xF7A, s2;
	p2 =	seq.s32 @!p0 s5, $0x0  }
0x1f: {  	s9 =	smul.u32 $0xF7A, s1;
	s8 =	simm.s32 @!p0 $0x1BF5;
	p2 =	por !p2, p0  }
0x20: {  	[sflag:s8] =	ssyncset.s32 @!p0 $0xFFFFF086;
	s6 =	sadd.s32 @!p0 s3, s7;
	s7 =	simm.s32 @!p0 $0x108  }
0x21: {  	s3 =	sadd.s32 s3, s9;
	s6 =	sadd.s32 @!p0 $0x88, s6;
	s7 =	simm.s32 @p2 $0x1082  }
0x22: {  	[simem:s7], [sflag:s8] =	dma.local @!p0 [hbm:s6], $0xF7A  }
0x23: {  	s9 =	sor.u32 $0xD0000000, s2;
	s6 =	simm.s32 $0x108;
	_ =	swait.ge @!p0 [sflag:s8], $0x0  }
0x24: {  	s3 =	sadd.s32 $0x88, s3;
	s6 =	simm.s32 @!p1 $0x1082;
	[sflag:s4] =	ssyncset.s32 $0xFFFFF086  }
0x25: {  	[simem:s6], [sflag:s4] =	dma.local [hbm:s3], $0xF7A  }
0x26: {  	[smem:$0x3F9D] =	sst s1;
	(tag) =	ssettag s2;
	_ =	strace s9  }
0x27: {  	s1 =	sld [smem:$0x3FAD]  }
0x28: {  	s2 =	sld [smem:$0x3FAE]  }
0x29: {  	s4 =	sld [smem:$0x3FB0]  }
0x2a: {  	p0 =	seq.s32 s5, $0x0;
	s5 =	sld [smem:$0x3FB1]  }
0x2b: {  	s6 =	sld [smem:$0x3FB2]  }
0x2c: {  	s7 =	sld [smem:$0x3FB3]  }
0x2d: {  	s3 =	simm.s32 $0x108;
	s8 =	sld [smem:$0x3FB4]  }
0x2e: {  	s3 =	simm.s32 @!p0 $0x1082;
	s9 =	sld [smem:$0x3FB5]  }
0x2f: {  	lr =	sadd.s32 s0, s3;
	s0 =	sld [smem:$0x3FAC]  }
0x30: {  	s3 =	sld [smem:$0x3FAF]  }
0x31: {  	[smem:$0x3FB8] =	sst s10  }
0x32: {  	s10 =	sld [smem:$0x3FB6];
	_ =	sdelay $0x3  }
0x33: {  	p0 =	seq.s32 s10, $0x1;
	s10 =	sld [smem:$0x3FB8];
	_ =	sdelay $0x3  }
0x34: {  	[smem:$0x3FB8] =	sst s10  }
0x35: {  	s10 =	sld [smem:$0x3FB7];
	_ =	sdelay $0x3  }
0x36: {  	p1 =	seq.s32 s10, $0x1;
	s10 =	sld [smem:$0x3FB8];
	_ =	sdelay $0x3  }
0x37: {  	[smem:$0x3FB8] =	sst s10  }
0x38: {  	s10 =	sld [smem:$0x3FB9]  }
0x39: {  	_ = 	snop;
	(pc) =	sbr.ind lr, $3  }
0x3a: {  	_ = 	snop  }
0x3b: {  	_ = 	snop  }
0x3c: {  	p2 =	seq.s32 s10, $0x1;
	s10 =	sld [smem:$0x3FB8]  }
0x3d: {  	_ =	shalt  }
0x3e: {  	_ =	shalt  }
0x3f: {  	_ =	shalt  }
0x40: {  	_ =	shalt  }
0x41: {  	_ =	shalt  }
0x42: {  	_ =	shalt  }
0x43: {  	_ =	shalt  }
0x44: {  	_ =	shalt  }
0x45: {  	_ =	shalt  }
0x46: {  	_ =	shalt  }
0x47: {  	_ =	shalt  }
0x48: {  	_ =	shalt  }
0x49: {  	_ =	shalt  }
0x4a: {  	_ =	shalt  }
0x4b: {  	_ =	shalt  }
0x4c: {  	_ =	shalt  }
0x4d: {  	_ =	shalt  }
0x4e: {  	_ =	shalt  }
0x4f: {  	_ =	shalt  }
0x50: {  	_ =	shalt  }
0x51: {  	_ =	shalt  }
0x52: {  	_ =	shalt  }
0x53: {  	_ =	shalt  }
0x54: {  	_ =	shalt  }
0x55: {  	_ =	shalt  }
0x56: {  	_ =	shalt  }
0x57: {  	_ =	shalt  }
0x58: {  	_ =	shalt  }
0x59: {  	_ =	shalt  }
0x5a: {  	_ =	shalt  }
0x5b: {  	_ =	shalt  }
0x5c: {  	_ =	shalt  }
0x5d: {  	_ =	shalt  }
0x5e: {  	_ =	shalt  }
0x5f: {  	_ =	shalt  }
0x60: {  	_ =	shalt  }
0x61: {  	_ =	shalt  }
0x62: {  	_ =	shalt  }
0x63: {  	_ =	shalt  }
0x64: {  	_ =	shalt  }
0x65: {  	_ =	shalt  }
0x66: {  	_ =	shalt  }
0x67: {  	_ =	shalt  }
0x68: {  	_ =	shalt  }
0x69: {  	_ =	shalt  }
0x6a: {  	_ =	shalt  }
0x6b: {  	_ =	shalt  }
0x6c: {  	_ =	shalt  }
0x6d: {  	_ =	shalt  }
0x6e: {  	_ =	shalt  }
0x6f: {  	_ =	shalt  }
0x70: {  	_ =	shalt  }
0x71: {  	_ =	shalt  }
0x72: {  	_ =	shalt  }
0x73: {  	_ =	shalt  }
0x74: {  	_ =	shalt  }
0x75: {  	_ =	shalt  }
0x76: {  	_ =	shalt  }
0x77: {  	_ =	shalt  }
0x78: {  	_ =	shalt  }
0x79: {  	_ =	shalt  }
0x7a: {  	_ =	shalt  }
0x7b: {  	_ =	shalt  }
0x7c: {  	_ =	shalt  }
0x7d: {  	_ =	shalt  }
0x7e: {  	_ =	shalt  }
0x7f: {  	_ =	shalt  }
0x80: {  	_ =	shalt  }
0x81: {  	_ =	shalt  }
0x82: {  	_ =	shalt  }
0x83: {  	_ =	shalt  }
0x84: {  	_ =	shalt  }
0x85: {  	_ =	shalt  }
0x86: {  	_ =	shalt  }
0x87: {  	_ =	shalt  }
.Lfunc_end0:
.L_simem_size_0:
called_computation_lowered:
.L_overlay_start_0:
0x88: {  	s2 =	sld [smem:$0x3FD9]  }
0x89: {  	s3 =	sld [smem:$0x3FFE];
	_ =	sdelay $0x1  }
0x8a: {  	s1 =	srdreg.scid  }
0x8b: {  	s0 =	sand.u32 $0x1, s1  }
0x8c: {  	s17 =	sshll.u32 s0, $0xA;
	s2 =	sadd.s32 s3, s2  }
0x8d: {  	s2 =	sadd.s32 s2, s17  }
0x8e: {  	[smem:$0x3FC4] =	sst s2  }
0x8f: {  	_ = 	snop  }
0x90: {  	s2 =	sld [smem:$0x3FD0];
	(tm) =	ssettm $0x1  }
0x91: {  	s18 =	sld [smem:$0x3FFB];
	_ =	sdelay $0x3  }
0x92: {  	_ =	strace s18  }
0x93: {  	s3 =	sld [smem:$0x3FFC];
	_ =	sdelay $0x3  }
0x94: {  	_ =	strace s3  }
0x95: {  	s3 =	sld [smem:$0x3FFD];
	_ =	sdelay $0x3  }
0x96: {  	_ =	strace s3  }
0x97: {  	_ =	strace $0x8FFFFFFF  }
0x98: {  	s19 =	sld [smem:$0x3FDB];
	_ =	sdelay $0x1  }
0x99: {  	s4 =	simm.s32 $_scs_section_size  }
0x9a: {  	s5 =	simm.s32 $_size__tile_overlayer_lowered;
	s6 =	simm.s32 $_tile_overlayer_lowered  }
0x9b: {  	s22 =	simm.s32 $0x1BFF;
	s21 =	sshll.u32 s6, $0x1;
	s3 =	sadd.s32 s4, s19  }
0x9c: {  	s7 =	simm.s32 $0x0;
	s20 =	sshll.u32 s5, $0x1;
	s5 =	sadd.s32 s21, s3  }
0x9d: {  	[timem:s7], [sflag:s22] =	dma.local [hbm:s5], s20  }
0x9e: {  	_ =	swait.ge [sflag:s22], s20  }
0x9f: {  	s4 =	ssub.s32 $0x0, s20;
	[sflag:s22] =	ssyncset.done $0x0  }
0xa0: {  	[sflag:s22] =	ssyncadd.s32 s4;
	_ =	sdelay $0x1  }
0xa1: {  	s23 =	simm.s32 $0x1B8B  }
0xa2: {  	_ =	swait.ge [sflag:s23], $0x1  }
0xa3: {  	[sflag:s23] =	ssyncset.done $0x0  }
0xa4: {  	s25 =	simm.s32 $0x1B8E;
	s24 =	sld [smem:$0x3FFE];
	[sflag:s23] =	ssyncadd.s32 $0xFFFFFFFF  }
0xa5: {  	s26 =	simm.s32 $execute0_lowered;
	[smem:$0x3FD2] =	sst s25  }
0xa6: {  	s5 =	sshll.u32 s26, $0x1;
	_ =	strace $0x80000046;
	[dreg:$0x1] =	wrdreg $0xFFFFFFFF  }
0xa7: {  	s28 =	simm.s32 $_size_execute0_lowered;
	s3 =	sadd.s32 s3, s5;
	[dreg:$0x0] =	wrdreg $0x0  }
0xa8: {  	s5 =	sshll.u32 s28, $0x1;
	[dreg:$0x2] =	wrdreg s3  }
0xa9: {  	[dreg:$0x3] =	wrdreg s5  }
0xaa: {  	[dreg:$0x4] =	wrdreg $0xC0  }
0xab: {  	_ =	task [dreg:s7], $0x5FFFF  }
0xac: {  	[dreg:$0x1] =	wrdreg $0xFFFFFFFF  }
0xad: {  	[dreg:$0x0] =	wrdreg $0x60  }
0xae: {  	[dreg:$0x2] =	wrdreg s24  }
0xaf: {  	[dreg:$0x3] =	wrdreg s2  }
0xb0: {  	[dreg:$0x4] =	wrdreg $0x93400  }
0xb1: {  	[dreg:$0x5] =	wrdreg $0x9  }
0xb2: {  	_ =	task.clear_ibuf [dreg:s7], $0x6FFFF;
	_ =	strace $0x90000046  }
0xb3: {  	s29 =	simm.s32 $0x9;
	_ =	strace $0x80000048  }
0xb4: {  	_ =	swait.ge [sflag:s29], $0x1  }
0xb5: {  	[sflag:s29] =	ssyncadd.s32 $0xFFFFFFFF  }
0xb6: {  	_ =	strace $0x90000048  }
0xb7: {  	_ =	sfence  }
0xb8: {  	s30 =	sld [smem:$0x0];
	_ =	sdelay $0x2  }
0xb9: {  	s31 =	sshll.u32 s1, $0xD;
	s1 =	sshrl.u32 s1, $0x2  }
0xba: {  	s3 =	sand.u32 $0x4000, s31;
	s1 =	sadd.s32 s1, s30  }
0xbb: {  	s0 =	sor.u32 s3, s0;
	s1 =	sshll.u32 s1, $0x11  }
0xbc: {  	s0 =	sor.u32 s1, s0  }
0xbd: {  	s0 =	sadd.s32 $0x8F2B, s0  }
0xbe: {  	[sflag:s0] =	ssyncadd.remote.s32 $0x1  }
0xbf: {  	_ =	sfence.sel $0xFFFF  }
0xc0: {  	[dreg:$0x0] =	wrdreg $0xFFFFFFFF;
	(pc) =	sbr.abs _section_cstart, $3  }
0xc1: {  	[dreg:$0x1] =	wrdreg $0xFFFFFFFF  }
0xc2: {  	_ =	task.clear_ibuf [dreg:s7], $0x2FFFF;
	_ =	strace $0x9FFFFFFF  }
0xc3: {  	(tm) =	ssettm $0x7FFFFFFF  }
tec
execute0_lowered:
.L_overlay_start_1:
0x0: {  	(tag) =	ssettag $0x1  }
0x1: {  	s0 =	rddreg [dreg:$0x0]  }
0x2: {  	s1 =	srdreg.scid;
	s3 =	rddreg [dreg:$0x1]  }
0x3: {  	s9 =	stileid.u32;
	s2 =	rddreg [dreg:$0x2];
	s6 =	simm.s32 $0x0  }
0x4: {  	s28 =	simm.s32 $0xD;
	s30 =	simm.s32 $0x180;
	s5 =	smul.u32 $0x16020, s9  }
0x5: {  	s31 =	simm.s32 $0x6;
	s29 =	simm.s32 $0x80;
	s7 =	smul.u32 $0x58080, s9  }
0x6: {  	s1 =	sand.u32 $0x1, s1;
	[smem:$0x7FF] =	sst s6;
	s24 =	smul.u32 $0x5000, s9  }
0x7: {  	s4 =	smul.u32 $0x160200, s1;
	_ =	strace $0x80000047;
	s23 =	ssub.s32 $0x2, s1  }
0x8: {  	s1 =	smul.u32 $0x50000, s1;
	s8 =	sshrl.u32 s23, $0x1;
	s7 =	sshrl.u32 s7, $0x2  }
0x9: {  	s26 =	sadd.s32 s5, s2;
	s4 =	sadd.s32 s5, s4;
	s6 =	ssub.s32 s23, s8  }
0xa: {  	s7 =	sadd.s32 s7, s2;
	s1 =	sadd.s32 s24, s1;
	s8 =	simm.s32 $0x4B00  }
0xb: {  	[dreg:$0x4] =	wrdreg s26;
	s22 =	sshrl.u32 s4, $0x3;
	s25 =	sadd.s32 $0x2400, s7  }
0xc: {  	s4 =	sadd.s32 $0x1000, s0;
	s9 =	sadd.s32 $0x4800, s7;
	[dreg:$0x5] =	wrdreg s25  }
0xd: {  	s10 =	sadd.s32 $0x6C00, s7;
	s11 =	sadd.s32 $0x9000, s7;
	[dreg:$0x6] =	wrdreg s9  }
0xe: {  	s12 =	sadd.s32 $0xB400, s7;
	s13 =	sadd.s32 $0xD800, s7;
	[dreg:$0x7] =	wrdreg s10  }
0xf: {  	s14 =	sshrl.u32 s1, $0x3;
	s15 =	sadd.s32 $0xFC00, s7;
	[dreg:$0x8] =	wrdreg s11  }
0x10: {  	s16 =	sadd.s32 $0x12000, s7;
	s18 =	sadd.s32 $0x14400, s7;
	[dreg:$0x9] =	wrdreg s12  }
0x11: {  	s20 =	sor.u32 $0x380, s1;
	s23 =	smax.u32 s6, $0x1;
	[dreg:$0xa] =	wrdreg s13  }
0x12: {  	s24 =	sor.u32 $0x300, s1;
	s6 =	simm.s32 $0x2700;
	[dreg:$0xb] =	wrdreg s15  }
0x13: {  	s7 =	simm.s32 $0x4;
	s0 =	sadd.s32 s22, s0;
	[dreg:$0xc] =	wrdreg s16  }
0x14: {  	s17 =	sadd.s32 s3, s14;
	[dreg:$0xe] =	wrdreg s18;
	s5 =	sshrl.u32 s20, $0x3  }
0x15: {  	[dreg:$0x13] =	wrdreg s23;
	s25 =	sor.u32 $0x280, s1;
	s1 =	sor.u32 $0x200, s1  }
0x16: {  	s9 =	simm.s32 $0x6F00;
	s10 =	simm.s32 $0x1;
	s11 =	simm.s32 $0x200  }
0x17: {  	s12 =	simm.s32 $0xB;
	s13 =	simm.s32 $0x7;
	s15 =	simm.s32 $0x2  }
0x18: {  	s16 =	simm.s32 $0x240;
	s18 =	simm.s32 $0x8;
	s20 =	simm.s32 $0x280  }
0x19: {  	s14 =	simm.s32 $0x2C0;
	s19 =	sadd.s32 $0x10, s17;
	[dreg:$0xd] =	wrdreg s17  }
0x1a: {  	s21 =	sadd.s32 $0x20, s17;
	s22 =	sadd.s32 $0x30, s17;
	[dreg:$0xf] =	wrdreg s19  }
0x1b: {  	s0 =	sadd.s32 $0x59000, s0;
	s1 =	sshrl.u32 s1, $0x3;
	[dreg:$0x10] =	wrdreg s21  }
.Ltmp0:
0x1c: {  	s17 =	simm.s32 $0xC;
	[dreg:$0x11] =	wrdreg s22;
	(pc) =	sbr.rel .LBB2_1-.Ltmp0, $4  }
0x1d: {  	[dreg:$0x12] =	wrdreg s0;
	s21 =	sadd.s32 s5, s3;
	s0 =	sshrl.u32 s24, $0x3  }
0x1e: {  	s5 =	sshrl.u32 s25, $0x3;
	s24 =	sadd.s32 s1, s3;
	s25 =	simm.s32 $0x300  }
0x1f: {  	s1 =	simm.s32 $0x40;
	s19 =	simm.s32 $0x3;
	s22 =	sadd.s32 s0, s3  }
0x20: {  	v0 =	vimm.f32 $0.0e+00;
	v1 =	vimm.s32 $0x2710;
	s23 =	sadd.s32 s5, s3;
	s0 =	simm.s32 $0xA;
	s5 =	simm.s32 $0x0  }
.LBB2_6:
0x21: {  	s3 =	simm.s32 $0x5  }
0x22: {  	_ =	swait.ge [sflag:s3], $0x2400  }
0x23: {  	[sflag:s3] =	ssyncset.done $0x0  }
0x24: {  	[sflag:s3] =	ssyncadd.s32 $0xFFFFDC00  }
0x25: {  	_ =	swait.ge [sflag:s31], $0x2400  }
0x26: {  	[sflag:s31] =	ssyncset.done $0x0  }
0x27: {  	[sflag:s31] =	ssyncadd.s32 $0xFFFFDC00  }
0x28: {  	_ =	swait.ge [sflag:s13], $0x2400  }
0x29: {  	[sflag:s13] =	ssyncset.done $0x0  }
0x2a: {  	[sflag:s13] =	ssyncadd.s32 $0xFFFFDC00  }
0x2b: {  	_ =	swait.ge [sflag:s18], $0x2400  }
0x2c: {  	[sflag:s18] =	ssyncset.done $0x0  }
0x2d: {  	[sflag:s18] =	ssyncadd.s32 $0xFFFFDC00  }
0x2e: {  	s26 =	stileid.u32;
	[bflag:$0x0] =	sbarrier.arrive $0xFFFF  }
0x2f: {  	s3 =	sshll.u32 s26, $0x6;
	s26 =	rddreg [dreg:$0x4]  }
0x30: {  	s3 =	sor.u32 $0x1C0D, s3;
	s28 =	rddreg [dreg:$0x12];
	s5 =	sshrl.u32 s26, $0x3  }
0x31: {  	[hbm:s28], [sflag:s3] =	dma.local [spmem:s5], $0x2C04  }
0x32: {  	s28 =	simm.s32 $0xD  }
0x33: {  	_ =	swait.ge [sflag:s28], $0x2C04  }
0x34: {  	s3 =	rddreg [dreg:$0x14]  }
0x35: {  	s5 =	sadd.s32 $0x1, s3;
	s3 =	rddreg [dreg:$0x13]  }
0x36: {  	p0 =	sne.s32 s5, s3  }
.Ltmp1:
0x37: {  	_ = 	snop;
	(pc) =	sbr.rel @!p0 .LBB2_7-.Ltmp1, $3  }
0x38: {  	_ =	sdelay $0x1  }
0x39: {  	[sflag:s28] =	ssyncset.done $0x0  }
0x3a: {  	[sflag:s28] =	ssyncadd.s32 $0xFFFFD3FC  }
.LBB2_1:
0x3b: {  	[dreg:$0x14] =	wrdreg s5;
	s5 =	simm.s32 $0x0;
	s3 =	simm.s32 $0x240  }
.LBB2_2:
0x3c: {  	p0 =	sne.s32 s3, $0x8DC0;
	[tilespmem:s5+$0x6F80] =	vst v0  }
0x3d: {  	[tilespmem:s5+$0x300] =	vst v0  }
0x3e: {  	[tilespmem:s5+$0x310] =	vst v0  }
0x3f: {  	[tilespmem:s5+$0x320] =	vst v0  }
0x40: {  	[tilespmem:s5+$0x330] =	vst v0  }
0x41: {  	[tilespmem:s5+$0x340] =	vst v0  }
0x42: {  	[tilespmem:s5+$0x350] =	vst v0  }
0x43: {  	[tilespmem:s5+$0x360] =	vst v0  }
0x44: {  	[tilespmem:s5+$0x370] =	vst v0  }
0x45: {  	[tilespmem:s5+$0x380] =	vst v0  }
0x46: {  	[tilespmem:s5+$0x4B00] =	vst v0  }
0x47: {  	[tilespmem:s5+$0x4B10] =	vst v0  }
0x48: {  	[tilespmem:s5+$0x4B20] =	vst v0  }
0x49: {  	[tilespmem:s5+$0x4B30] =	vst v0  }
0x4a: {  	[tilespmem:s5+$0x4B40] =	vst v0  }
0x4b: {  	[tilespmem:s5+$0x4B50] =	vst v0  }
0x4c: {  	[tilespmem:s5+$0x4B60] =	vst v0  }
0x4d: {  	[tilespmem:s5+$0x4B70] =	vst v0  }
0x4e: {  	[tilespmem:s5+$0x4B80] =	vst v0  }
0x4f: {  	[tilespmem:s5+$0x6F00] =	vst v0  }
0x50: {  	[tilespmem:s5+$0x6F10] =	vst v0  }
0x51: {  	[tilespmem:s5+$0x6F20] =	vst v0  }
.Ltmp2:
0x52: {  	[tilespmem:s5+$0x6F30] =	vst v0;
	(pc) =	sbr.rel @p0 .LBB2_2-.Ltmp2, $4  }
0x53: {  	[tilespmem:s5+$0x6F40] =	vst v0  }
0x54: {  	[tilespmem:s5+$0x6F50] =	vst v0  }
0x55: {  	[tilespmem:s5+$0x6F60] =	vst v0  }
0x56: {  	[tilespmem:s5+$0x6F70] =	vst v0;
	s5 =	sshra.s32 s3, $0x2;
	s3 =	sadd.s32 $0x240, s3  }
0x57: {  	[tilespmem:s5+$0x6F80] =	vst v0  }
0x58: {  	[tilespmem:s5+$0x300] =	vst v0  }
0x59: {  	[tilespmem:s5+$0x310] =	vst v0  }
0x5a: {  	[tilespmem:s5+$0x320] =	vst v0  }
0x5b: {  	[tilespmem:s5+$0x330] =	vst v0  }
0x5c: {  	[tilespmem:s5+$0x340] =	vst v0  }
0x5d: {  	[tilespmem:s5+$0x350] =	vst v0  }
0x5e: {  	[tilespmem:s5+$0x360] =	vst v0  }
0x5f: {  	[tilespmem:s5+$0x370] =	vst v0  }
0x60: {  	[tilespmem:s5+$0x380] =	vst v0  }
0x61: {  	[tilespmem:s5+$0x4B00] =	vst v0  }
0x62: {  	[tilespmem:s5+$0x4B10] =	vst v0  }
0x63: {  	[tilespmem:s5+$0x4B20] =	vst v0  }
0x64: {  	[tilespmem:s5+$0x4B30] =	vst v0  }
0x65: {  	[tilespmem:s5+$0x4B40] =	vst v0  }
0x66: {  	[tilespmem:s5+$0x4B50] =	vst v0  }
0x67: {  	[tilespmem:s5+$0x4B60] =	vst v0  }
0x68: {  	[tilespmem:s5+$0x4B70] =	vst v0  }
0x69: {  	[tilespmem:s5+$0x4B80] =	vst v0  }
0x6a: {  	[tilespmem:s5+$0x6F00] =	vst v0  }
0x6b: {  	[tilespmem:s5+$0x6F10] =	vst v0  }
0x6c: {  	[tilespmem:s5+$0x6F20] =	vst v0  }
0x6d: {  	[tilespmem:s5+$0x6F30] =	vst v0  }
0x6e: {  	[tilespmem:s5+$0x6F40] =	vst v0  }
0x6f: {  	[tilespmem:s5+$0x6F50] =	vst v0  }
0x70: {  	[tilespmem:s5+$0x6F60] =	vst v0  }
0x71: {  	[tilespmem:s5+$0x6F70] =	vst v0  }
0x72: {  	[tilespmem:$0x9300] =	vst v1  }
0x73: {  	[tilespmem:$0x9310] =	vst v1  }
0x74: {  	[tilespmem:$0x9320] =	vst v1  }
0x75: {  	[tilespmem:$0x9330] =	vst v1  }
0x76: {  	[spmem:s26] =	stream.linear.scatter [tilespmem:s25], [sflag:$0xD], $0x2400, $0x38;
	[tilespmem:$0x1F360] =	vst v63  }
0x77: {  	_ =	swait.ge [sflag:s28], $0x2400  }
0x78: {  	[sflag:s28] =	ssyncset.done $0x0  }
0x79: {  	s3 =	rddreg [dreg:$0x5];
	[sflag:s28] =	ssyncadd.s32 $0xFFFFDC00  }
0x7a: {  	[spmem:s3] =	stream.linear.scatter [tilespmem:s25], [sflag:$0xD], $0x2400, $0x38;
	[tilespmem:$0x1F360] =	vst v63  }
0x7b: {  	_ =	swait.ge [sflag:s28], $0x2400  }
0x7c: {  	[sflag:s28] =	ssyncset.done $0x0  }
0x7d: {  	s26 =	rddreg [dreg:$0x6];
	[sflag:s28] =	ssyncadd.s32 $0xFFFFDC00  }
0x7e: {  	[spmem:s26] =	stream.linear.scatter [tilespmem:s25], [sflag:$0xD], $0x2400, $0x38;
	[tilespmem:$0x1F360] =	vst v63  }
0x7f: {  	_ =	swait.ge [sflag:s28], $0x2400  }
0x80: {  	[sflag:s28] =	ssyncset.done $0x0  }
0x81: {  	s5 =	rddreg [dreg:$0x7];
	[sflag:s28] =	ssyncadd.s32 $0xFFFFDC00  }
0x82: {  	[spmem:s5] =	stream.linear.scatter [tilespmem:s25], [sflag:$0xD], $0x2400, $0x38;
	[tilespmem:$0x1F360] =	vst v63  }
0x83: {  	_ =	swait.ge [sflag:s28], $0x2400  }
0x84: {  	[sflag:s28] =	ssyncset.done $0x0  }
0x85: {  	s26 =	rddreg [dreg:$0x8];
	[sflag:s28] =	ssyncadd.s32 $0xFFFFDC00  }
0x86: {  	[spmem:s26] =	stream.linear.scatter [tilespmem:s25], [sflag:$0xD], $0x2400, $0x38;
	[tilespmem:$0x1F360] =	vst v63  }
0x87: {  	_ =	swait.ge [sflag:s28], $0x2400  }
0x88: {  	[sflag:s28] =	ssyncset.done $0x0  }
0x89: {  	s5 =	rddreg [dreg:$0x9];
	[sflag:s28] =	ssyncadd.s32 $0xFFFFDC00  }
0x8a: {  	[spmem:s5] =	stream.linear.scatter [tilespmem:s25], [sflag:$0xD], $0x2400, $0x38;
	[tilespmem:$0x1F360] =	vst v63  }
0x8b: {  	_ =	swait.ge [sflag:s28], $0x2400  }
0x8c: {  	[sflag:s28] =	ssyncset.done $0x0  }
0x8d: {  	s26 =	rddreg [dreg:$0xa];
	[sflag:s28] =	ssyncadd.s32 $0xFFFFDC00  }
0x8e: {  	[spmem:s26] =	stream.linear.scatter [tilespmem:s25], [sflag:$0xD], $0x2400, $0x38;
	[tilespmem:$0x1F360] =	vst v63  }
0x8f: {  	_ =	swait.ge [sflag:s28], $0x2400  }
0x90: {  	[sflag:s28] =	ssyncset.done $0x0  }
0x91: {  	s5 =	rddreg [dreg:$0xb];
	[sflag:s28] =	ssyncadd.s32 $0xFFFFDC00  }
0x92: {  	[spmem:s5] =	stream.linear.scatter [tilespmem:s25], [sflag:$0xD], $0x2400, $0x38;
	[tilespmem:$0x1F360] =	vst v63  }
0x93: {  	_ =	swait.ge [sflag:s28], $0x2400  }
0x94: {  	[sflag:s28] =	ssyncset.done $0x0  }
0x95: {  	s26 =	rddreg [dreg:$0xc];
	[sflag:s28] =	ssyncadd.s32 $0xFFFFDC00  }
0x96: {  	[spmem:s26] =	stream.linear.scatter [tilespmem:s25], [sflag:$0xD], $0x2400, $0x38;
	[tilespmem:$0x1F360] =	vst v63  }
0x97: {  	_ =	swait.ge [sflag:s28], $0x2400  }
0x98: {  	[sflag:s28] =	ssyncset.done $0x0  }
0x99: {  	s5 =	rddreg [dreg:$0xe];
	[sflag:s28] =	ssyncadd.s32 $0xFFFFDC00  }
0x9a: {  	[spmem:s5] =	stream.linear.scatter [tilespmem:s25], [sflag:$0xD], $0x1C20, $0x38;
	[tilespmem:$0x1F360] =	vst v63  }
0x9b: {  	_ =	swait.ge [sflag:s28], $0x1C20  }
0x9c: {  	[sflag:s28] =	ssyncset.done $0x0  }
0x9d: {  	[sflag:s28] =	ssyncadd.s32 $0xFFFFE3E0  }
0x9e: {  	[bflag:$0x0] =	sbarrier.arrive $0xFFFF  }
0x9f: {  	s5 =	simm.s32 $0x0;
	s26 =	rddreg [dreg:$0xd]  }
0xa0: {  	[tilespmem:s5], [sflag:$0x9] =	stream.linear.gather [hbm4b:s26+s5], $0x80, $0x38;
	[tilespmem:$0x1F360] =	vst v63  }
0xa1: {  	s28 =	rddreg [dreg:$0xf];
	s26 =	simm.s32 $0x80  }
0xa2: {  	[tilespmem:s26], [sflag:$0xA] =	stream.linear.gather [hbm4b:s28+s5], $0x80, $0x38;
	[tilespmem:$0x1F360] =	vst v63  }
0xa3: {  	s3 =	rddreg [dreg:$0x10];
	s28 =	simm.s32 $0x100  }
0xa4: {  	[tilespmem:s28], [sflag:$0xB] =	stream.linear.gather [hbm4b:s3+s5], $0x80, $0x38;
	[tilespmem:$0x1F360] =	vst v63  }
0xa5: {  	s28 =	rddreg [dreg:$0x11]  }
0xa6: {  	[tilespmem:s30], [sflag:$0xC] =	stream.linear.gather [hbm4b:s28+s5], $0x80, $0x38;
	[tilespmem:$0x1F360] =	vst v63  }
0xa7: {  	s28 =	simm.s32 $0x9  }
0xa8: {  	_ =	swait.ge [sflag:s28], $0x80  }
0xa9: {  	[sflag:s28] =	ssyncset.done $0x0  }
0xaa: {  	[sflag:s28] =	ssyncadd.s32 $0xFFFFFF80  }
0xab: {  	[tilespmem:s25], [sflag:$0x1] =	stream.indirect.gather [hbm4b:s4+s1], $0x90, s5, s1, $0xb8;
	[tilespmem:$0x1F360] =	vst v63  }
0xac: {  	_ =	swait.ge [sflag:s0], $0x80  }
0xad: {  	[sflag:s0] =	ssyncset.done $0x0  }
0xae: {  	[sflag:s0] =	ssyncadd.s32 $0xFFFFFF80  }
0xaf: {  	[tilespmem:s6], [sflag:$0x2] =	stream.indirect.gather [hbm4b:s4+s1], $0x90, s26, s1, $0xb8;
	[tilespmem:$0x1F360] =	vst v63  }
0xb0: {  	s28 =	simm.s32 $0x9300  }
0xb1: {  	[spmem:s2] =	stream.indirect.scatter.add.f32 [tilespmem:s8], [sflag:$0x7], $0x90, s28, s1, $0xb8;
	[tilespmem:$0x1F360] =	vst v63  }
0xb2: {  	_ = 	snop  }
0xb3: {  	[spmem:s2] =	stream.indirect.scatter.add.f32 [tilespmem:s9], [sflag:$0x8], $0x90, s28, s1, $0xb8;
	[tilespmem:$0x1F360] =	vst v63  }
.LBB2_4:
0xb4: {  	_ =	swait.ge [sflag:s10], $0x2400  }
0xb5: {  	[sflag:s10] =	ssyncset.done $0x0  }
0xb6: {  	[sflag:s10] =	ssyncadd.s32 $0xFFFFDC00  }
0xb7: {  	v2 =	vld [tilespmem:$0x40]  }
0xb8: {  	v3 =	vld [tilespmem:$0x50]  }
0xb9: {  	v4 =	vld [tilespmem:$0x60]  }
0xba: {  	v5 =	vld [tilespmem:$0x70];
	_ =	sdelay $0x1  }
0xbb: {  	[tilespmem:$0x200] =	vst v2  }
0xbc: {  	[tilespmem:$0x210] =	vst v3  }
0xbd: {  	[tilespmem:$0x220] =	vst v4  }
0xbe: {  	[tilespmem:$0x230] =	vst v5  }
0xbf: {  	[spmem:s2] =	stream.indirect.scatter.add.f32 [tilespmem:s25], [sflag:$0x5], $0x90, s11, s1, $0xb8;
	[tilespmem:$0x1F360] =	vst v63  }
0xc0: {  	_ =	swait.ge [sflag:s12], $0x80  }
0xc1: {  	[sflag:s12] =	ssyncset.done $0x0  }
0xc2: {  	[sflag:s12] =	ssyncadd.s32 $0xFFFFFF80  }
0xc3: {  	_ =	swait.ge [sflag:s13], $0x2400  }
0xc4: {  	[sflag:s13] =	ssyncset.done $0x0  }
0xc5: {  	s3 =	simm.s32 $0x100;
	p0 =	seq.s32 s5, $0x9C0;
	[sflag:s13] =	ssyncadd.s32 $0xFFFFDC00  }
0xc6: {  	[tilespmem:s8], [sflag:$0x3] =	stream.indirect.gather [hbm4b:s4+s1], $0x90, s3, s1, $0xb8;
	[tilespmem:$0x1F360] =	vst v63  }
0xc7: {  	s26 =	simm.s32 @!p0 $0x0;
	s3 =	sadd.s32 @!p0 s5, s24  }
0xc8: {  	[tilespmem:s26], [sflag:$0x9] =	stream.linear.gather @!p0 [hbm4b:s3+s26], $0x80, $0x38;
	[tilespmem:$0x1F360] =	vst v63  }
0xc9: {  	_ =	swait.ge [sflag:s15], $0x2400  }
0xca: {  	[sflag:s15] =	ssyncset.done $0x0  }
0xcb: {  	[sflag:s15] =	ssyncadd.s32 $0xFFFFDC00  }
0xcc: {  	v2 =	vld [tilespmem:$0xC0]  }
0xcd: {  	v3 =	vld [tilespmem:$0xD0]  }
0xce: {  	v58 =	vld [tilespmem:$0xE0]  }
0xcf: {  	v59 =	vld [tilespmem:$0xF0];
	_ =	sdelay $0x1  }
0xd0: {  	[tilespmem:$0x240] =	vst v2  }
0xd1: {  	[tilespmem:$0x250] =	vst v3  }
0xd2: {  	[tilespmem:$0x260] =	vst v58  }
0xd3: {  	[tilespmem:$0x270] =	vst v59  }
0xd4: {  	[spmem:s2] =	stream.indirect.scatter.add.f32 [tilespmem:s6], [sflag:$0x6], $0x90, s16, s1, $0xb8;
	[tilespmem:$0x1F360] =	vst v63  }
0xd5: {  	_ =	swait.ge [sflag:s17], $0x80  }
0xd6: {  	[sflag:s17] =	ssyncset.done $0x0  }
0xd7: {  	[sflag:s17] =	ssyncadd.s32 $0xFFFFFF80  }
0xd8: {  	_ =	swait.ge [sflag:s18], $0x2400  }
0xd9: {  	[sflag:s18] =	ssyncset.done $0x0  }
0xda: {  	[sflag:s18] =	ssyncadd.s32 $0xFFFFDC00  }
0xdb: {  	[tilespmem:s9], [sflag:$0x4] =	stream.indirect.gather [hbm4b:s4+s1], $0x90, s30, s1, $0xb8;
	[tilespmem:$0x1F360] =	vst v63  }
0xdc: {  	s28 =	simm.s32 @!p0 $0x80;
	s3 =	sadd.s32 @!p0 s5, s23  }
0xdd: {  	[tilespmem:s28], [sflag:$0xA] =	stream.linear.gather @!p0 [hbm4b:s3+s26], $0x80, $0x38;
	[tilespmem:$0x1F360] =	vst v63  }
0xde: {  	_ =	swait.ge [sflag:s19], $0x2400  }
0xdf: {  	[sflag:s19] =	ssyncset.done $0x0  }
0xe0: {  	[sflag:s19] =	ssyncadd.s32 $0xFFFFDC00  }
0xe1: {  	v2 =	vld [tilespmem:$0x140]  }
0xe2: {  	v3 =	vld [tilespmem:$0x150]  }
0xe3: {  	v60 =	vld [tilespmem:$0x160]  }
0xe4: {  	v61 =	vld [tilespmem:$0x170];
	_ =	sdelay $0x1  }
0xe5: {  	[tilespmem:$0x280] =	vst v2  }
0xe6: {  	[tilespmem:$0x290] =	vst v3  }
0xe7: {  	[tilespmem:$0x2A0] =	vst v60  }
0xe8: {  	s3 =	simm.s32 @!p0 $0x9;
	[tilespmem:$0x2B0] =	vst v61  }
0xe9: {  	[spmem:s2] =	stream.indirect.scatter.add.f32 [tilespmem:s8], [sflag:$0x7], $0x90, s20, s1, $0xb8;
	[tilespmem:$0x1F360] =	vst v63  }
0xea: {  	_ =	swait.ge @!p0 [sflag:s3], $0x80  }
0xeb: {  	[sflag:s3] =	ssyncset.done @!p0 $0x0  }
0xec: {  	[sflag:s3] =	ssyncadd.s32 @!p0 $0xFFFFFF80;
	s3 =	simm.s32 @!p0 $0x5  }
0xed: {  	_ =	swait.ge @!p0 [sflag:s3], $0x2400  }
0xee: {  	[sflag:s3] =	ssyncset.done @!p0 $0x0  }
0xef: {  	s28 =	simm.s32 @!p0 $0x300;
	[sflag:s3] =	ssyncadd.s32 @!p0 $0xFFFFDC00;
	s3 =	simm.s32 @!p0 $0x40  }
0xf0: {  	[tilespmem:s28], [sflag:$0x1] =	stream.indirect.gather @!p0 [hbm4b:s4+s3], $0x90, s26, s3, $0xb8;
	[tilespmem:$0x1F360] =	vst v63  }
0xf1: {  	s3 =	sadd.s32 @!p0 s5, s22;
	s28 =	simm.s32 @!p0 $0x100  }
0xf2: {  	[tilespmem:s28], [sflag:$0xB] =	stream.linear.gather @!p0 [hbm4b:s3+s26], $0x80, $0x38;
	[tilespmem:$0x1F360] =	vst v63  }
0xf3: {  	_ =	swait.ge [sflag:s7], $0x2400  }
0xf4: {  	[sflag:s7] =	ssyncset.done $0x0  }
0xf5: {  	[sflag:s7] =	ssyncadd.s32 $0xFFFFDC00  }
0xf6: {  	v2 =	vld [tilespmem:$0x1C0]  }
0xf7: {  	v3 =	vld [tilespmem:$0x1D0]  }
0xf8: {  	v62 =	vld [tilespmem:$0x1E0]  }
0xf9: {  	v63 =	vld [tilespmem:$0x1F0];
	_ =	sdelay $0x1  }
.Ltmp3:
0xfa: {  	[tilespmem:$0x2C0] =	vst v2;
	(pc) =	sbr.rel @p0 .LBB2_6-.Ltmp3, $4  }
0xfb: {  	[tilespmem:$0x2D0] =	vst v3  }
0xfc: {  	[tilespmem:$0x2E0] =	vst v62  }
0xfd: {  	[tilespmem:$0x2F0] =	vst v63  }
0xfe: {  	[spmem:s2] =	stream.indirect.scatter.add.f32 [tilespmem:s9], [sflag:$0x8], $0x90, s14, s1, $0xb8;
	[tilespmem:$0x1F360] =	vst v63  }
0xff: {  	_ =	swait.ge [sflag:s0], $0x80  }
0x100: {  	[sflag:s0] =	ssyncset.done $0x0  }
0x101: {  	[sflag:s0] =	ssyncadd.s32 $0xFFFFFF80  }
0x102: {  	_ =	swait.ge [sflag:s31], $0x2400  }
.Ltmp4:
0x103: {  	[sflag:s31] =	ssyncset.done $0x0;
	(pc) =	sbr.rel .LBB2_4-.Ltmp4, $4  }
0x104: {  	[sflag:s31] =	ssyncadd.s32 $0xFFFFDC00  }
0x105: {  	[tilespmem:s6], [sflag:$0x2] =	stream.indirect.gather [hbm4b:s4+s1], $0x90, s29, s1, $0xb8;
	[tilespmem:$0x1F360] =	vst v63  }
0x106: {  	s3 =	sadd.s32 s5, s21;
	s26 =	simm.s32 $0x0;
	s5 =	sadd.s32 $0x40, s5  }
0x107: {  	[tilespmem:s30], [sflag:$0xC] =	stream.linear.gather [hbm4b:s3+s26], $0x80, $0x38;
	[tilespmem:$0x1F360] =	vst v63  }
.LBB2_7:
0x108: {  	_ =	sfence.sel $0x180000  }
0x109: {  	[bflag:$0x0] =	sbarrier.arrive $0xFFFF  }
0x10a: {  	_ =	strace $0x90000047  }
0x10b: {  	s0 =	stileid.u32;
	[bflag:$0x2] =	sbarrier.arrive $0xFFFF  }
0x10c: {  	p0 =	sne.s32 s0, $0x0;
	s0 =	rddreg [dreg:$0x3]  }
0x10d: {  	s0 =	sadd.s32 @!p0 $0x100000, s0  }
0x10e: {  	[sflag:s0] =	ssyncadd.tile.s32 @!p0 $0x1;
	_ =	shalt  }
.Lfunc_end2:
_tile_overlayer_lowered:
.L_overlay_start_2:
0x10f: {  	(tag) =	ssettag $0x2  }
0x110: {  	s0 =	rddreg [dreg:$0x0];
	s2 =	stileid.u32  }
0x111: {  	s1 =	rddreg [dreg:$0x1];
	p0 =	sne.s32 s2, $0x0  }
0x112: {  	s3 =	rddreg [dreg:$0x2];
	[bflag:$0x3] =	sbarrier.arrive $0xFFFF;
	s2 =	simm.s32 @!p0 $0x1C0D  }
0x113: {  	[timem:s3], [sflag:s2] =	dma.local @!p0 [hbm:s0], s1  }
0x114: {  	s0 =	simm.s32 @!p0 $0xD  }
0x115: {  	_ =	swait.ge @!p0 [sflag:s0], s1  }
0x116: {  	s1 =	ssub.s32 @!p0 $0x0, s1;
	[sflag:s0] =	ssyncset.done @!p0 $0x0  }
0x117: {  	[sflag:s0] =	ssyncadd.s32 @!p0 s1  }
0x118: {  	[bflag:$0x3] =	sbarrier.arrive $0xFFFF  }
0x119: {  	_ =	shalt  }

</sc_bundles>
